<compile_context>
chip_gen: v7x
topology: tpu7x:2x2x1
jax: 0.10.2.dev20260603
libtpu: 0.0.44.dev20260713+nightly
codegen_flags: <defaults>
</compile_context>

<pallas_src>
import jax
import jax.numpy as jnp
from jax import lax
from jax.experimental import pallas as pl
from jax.experimental.pallas import tpu as pltpu
from jax.experimental.pallas import tpu_sc as plsc

B = 16384
F = 26
V = 100001
D = 32

_info = plsc.get_sparse_core_info()
NC, NS = _info.num_cores, _info.num_subcores
NW = NC * NS

CHUNK = 2048
NCHUNK = B // CHUNK
UNROLL = 8
IQ = 4096
NQ = B // IQ
NSTAGE = 16


def _body(cat_hbm, tab_hbm, out_hbm, tv, idx_v, out_v, idx_sh,
          tsem, isem0, isem1, osem0, osem1):
    s = lax.axis_index("s")
    d = s * NC + lax.axis_index("c")
    osems = [osem0, osem1]
    isems = [isem0, isem1]

    pltpu.sync_copy(cat_hbm.at[s], idx_sh.at[s])
    plsc.subcore_barrier()

    def fire_iq(f, q):
        ib = q % 2

        @pl.when(f < NSTAGE)
        def _():
            pltpu.async_copy(
                idx_sh.at[f, pl.ds(q * IQ, IQ)], idx_v.at[ib], isems[ib])

        @pl.when(f >= NSTAGE)
        def _():
            pltpu.async_copy(
                cat_hbm.at[f, pl.ds(q * IQ, IQ)], idx_v.at[ib], isems[ib])

    def drain_iq(f, q):
        ib = q % 2
        pltpu.make_async_copy(
            cat_hbm.at[f, pl.ds(0, IQ)], idx_v.at[ib], isems[ib]).wait()

    def do_field(fi, carry):
        f = lax.rem(fi + d, F)
        tcp = pltpu.async_copy(tab_hbm.at[f, d], tv, tsem)
        fire_iq(f, 0)
        tcp.wait()
        c = f * D + d
        cps = [None, None]
        for j in range(NCHUNK):
            q, jq = divmod(j, NCHUNK // NQ)
            obuf = j % 2
            ib = q % 2
            if jq == 0:
                if q + 1 < NQ:
                    fire_iq(f, q + 1)
                drain_iq(f, q)
            if cps[obuf] is not None:
                cps[obuf].wait()

            @plsc.parallel_loop(0, CHUNK // 16, unroll=UNROLL)
            def gath(i):
                vidx = idx_v[ib, pl.ds(jq * CHUNK + i * 16, 16)]
                out_v[obuf, pl.ds(i * 16, 16)] = plsc.load_gather(tv, [vidx])
            cps[obuf] = pltpu.async_copy(
                out_v.at[obuf], out_hbm.at[c, pl.ds(j * CHUNK, CHUNK)],
                osems[obuf])
        cps[0].wait()
        cps[1].wait()
        return carry

    lax.fori_loop(0, F, do_field, 0)


def kernel(categorical_features, tables):
    catT = categorical_features.T
    tabT = tables.transpose(0, 2, 1)
    mesh = plsc.VectorSubcoreMesh(core_axis_name="c", subcore_axis_name="s")
    outT = pl.kernel(
        _body,
        mesh=mesh,
        compiler_params=pltpu.CompilerParams(needs_layout_passes=False),
        out_type=jax.ShapeDtypeStruct((F * D, B), jnp.float32),
        scratch_types=[
            pltpu.VMEM((V,), jnp.float32),
            pltpu.VMEM((2, IQ), jnp.int32),
            pltpu.VMEM((2, CHUNK), jnp.float32),
            pltpu.VMEM_SHARED((NSTAGE, B), jnp.int32),
            pltpu.SemaphoreType.DMA,
            pltpu.SemaphoreType.DMA,
            pltpu.SemaphoreType.DMA,
            pltpu.SemaphoreType.DMA,
            pltpu.SemaphoreType.DMA,
        ],
    )(catT, tabT)
    return outT.T

# --- scband reference (transcript-rebuilt; emitter-appended) ---
"""Pipeline reference for scband-embedding-layer-16080357556500 (READ-ONLY COPY).

The authoritative reference and input builder live on the scoring server;
editing this copy changes nothing except your own understanding.
"""

import jax, jax.numpy as jnp
import numpy as np

B = 16384
F = 26
V = 100001  # vocab_size + 1 (padding row at index 0)
D = 32

def setup_inputs(seed: int = 0) -> dict:
    key = jax.random.key(seed)
    k1, k2 = jax.random.split(key)
    categorical_features = jax.random.randint(k1, (B, F), 0, 100000, dtype=jnp.int32)
    # Stacked embedding tables, one per field, matching nn.ModuleDict of nn.Embedding(V, D, padding_idx=0)
    tables = jax.random.normal(k2, (F, V, D), dtype=jnp.float32)
    tables = tables.at[:, 0, :].set(0.0)  # padding_idx=0 rows are zero
    return {"categorical_features": categorical_features, "tables": tables}

def reference(categorical_features, tables):
    # For each field i, look up tables[i][categorical_features[:, i]] and concat along last dim.
    F_ = tables.shape[0]
    field_ids = jnp.arange(F_)[None, :]  # (1, F)
    gathered = tables[field_ids, categorical_features]  # (B, F, D)
    return gathered.reshape(gathered.shape[0], -1)  # (B, F*D) == torch.cat(embeddings, dim=-1)

if __name__ == "__main__":
    import jax
    _d = setup_inputs()
    print(jax.jit(kernel)(*tuple(_d.values())))

</pallas_src>

<mosaic_0001>
#map = affine_map<(d0, d1) -> (0, 0)>
#map1 = affine_map<(d0, d1) -> (0, 0, 0)>
module attributes {stable_mosaic.version = 14 : i64} {
  func.func @_body(%arg0: i32, %arg1: i32, %arg2: memref<26x16384xi32, #tpu.memory_space<hbm>>, %arg3: memref<26x32x100001xf32, #tpu.memory_space<hbm>>, %arg4: memref<832x16384xf32, #tpu.memory_space<hbm>>, %arg5: memref<100001xf32, #tpu.memory_space<vmem>>, %arg6: memref<2x4096xi32, #tpu.memory_space<vmem>>, %arg7: memref<2x2048xf32, #tpu.memory_space<vmem>>, %arg8: memref<16x16384xi32, #tpu.memory_space<vmem_shared>>, %arg9: memref<!tpu.dma_semaphore, #tpu.memory_space<semaphore_mem>>, %arg10: memref<!tpu.dma_semaphore, #tpu.memory_space<semaphore_mem>>, %arg11: memref<!tpu.dma_semaphore, #tpu.memory_space<semaphore_mem>>, %arg12: memref<!tpu.dma_semaphore, #tpu.memory_space<semaphore_mem>>, %arg13: memref<!tpu.dma_semaphore, #tpu.memory_space<semaphore_mem>>) attributes {dimension_semantics = [#tpu.dimension_semantics<core_parallel>, #tpu.dimension_semantics<subcore_parallel>], iteration_bounds = array<i64: 2, 16>, scalar_prefetch = 0 : i64, scratch_operands = 9 : i64, tpu.core_type = #tpu.core_type<sc_vector_subcore>, window_params = [{transform_indices = #map}, {transform_indices = #map1}, {transform_indices = #map}]} {
    %mul3A = arith.constant 2 : i32
    %mul3A_0 = arith.muli %arg1, %mul3A : i32
    %add3A = arith.addi %mul3A_0, %arg0 : i32
    "tpu.region"() ({
      %run_scoped3A = tpu.sem_alloc : memref<!tpu.dma_semaphore, #tpu.memory_space<semaphore_mem>>
      %dma_start3A = arith.constant 0 : i32
      %dma_start3A_6 = tpu.memref_slice %arg8[%arg1, %dma_start3A] : memref<16x16384xi32, #tpu.memory_space<vmem_shared>> -> memref<1x16384xi32, #tpu.memory_space<vmem_shared>>
      %dma_start3A_7 = tpu.memref_squeeze %dma_start3A_6 : memref<1x16384xi32, #tpu.memory_space<vmem_shared>> -> memref<16384xi32, #tpu.memory_space<vmem_shared>>
      %dma_start3A_8 = arith.constant 0 : i32
      %dma_start3A_9 = tpu.memref_slice %arg2[%arg1, %dma_start3A_8] : memref<26x16384xi32, #tpu.memory_space<hbm>> -> memref<1x16384xi32, #tpu.memory_space<hbm>>
      %dma_start3A_10 = tpu.memref_squeeze %dma_start3A_9 : memref<1x16384xi32, #tpu.memory_space<hbm>> -> memref<16384xi32, #tpu.memory_space<hbm>>
      tpu.enqueue_dma source(%dma_start3A_10 : memref<16384xi32, #tpu.memory_space<hbm>>) target(%dma_start3A_7 : memref<16384xi32, #tpu.memory_space<vmem_shared>>) target_semaphore(%run_scoped3A : memref<!tpu.dma_semaphore, #tpu.memory_space<semaphore_mem>>)
      %dma_wait3A = arith.constant 0 : i32
      %dma_wait3A_11 = tpu.memref_slice %arg8[%arg1, %dma_wait3A] : memref<16x16384xi32, #tpu.memory_space<vmem_shared>> -> memref<1x16384xi32, #tpu.memory_space<vmem_shared>>
      %dma_wait3A_12 = tpu.memref_squeeze %dma_wait3A_11 : memref<1x16384xi32, #tpu.memory_space<vmem_shared>> -> memref<16384xi32, #tpu.memory_space<vmem_shared>>
      %dma_wait3A_13 = arith.constant 0 : i32
      %dma_wait3A_14 = tpu.memref_slice %arg2[%arg1, %dma_wait3A_13] : memref<26x16384xi32, #tpu.memory_space<hbm>> -> memref<1x16384xi32, #tpu.memory_space<hbm>>
      %dma_wait3A_15 = tpu.memref_squeeze %dma_wait3A_14 : memref<1x16384xi32, #tpu.memory_space<hbm>> -> memref<16384xi32, #tpu.memory_space<hbm>>
      tpu.wait_dma2 semaphore(%run_scoped3A : memref<!tpu.dma_semaphore, #tpu.memory_space<semaphore_mem>>) src(%dma_wait3A_15 : memref<16384xi32, #tpu.memory_space<hbm>>) dst(%dma_wait3A_12 : memref<16384xi32, #tpu.memory_space<vmem_shared>>)
      tpu.yield
    }) : () -> ()
    %barrier3A = arith.constant 0 : index
    tpu.barrier barrier_id(%barrier3A)
    %scan3A = arith.constant 0 : i32
    %scan3A_1 = arith.constant 0 : i32
    %scan3A_2 = arith.constant 26 : i32
    %scan3A_3 = arith.addi %scan3A_1, %scan3A_2 : i32
    %scan3A_4 = arith.constant 1 : i32
    scf.for %scan3A_6 = %scan3A_1 to %scan3A_3 step %scan3A_4  : i32 {
      %add3A_7 = arith.addi %scan3A_6, %add3A : i32
      %rem3A = arith.constant 26 : i32
      %rem3A_8 = arith.remsi %add3A_7, %rem3A : i32
      %dma_start3A = arith.constant 0 : i32
      %dma_start3A_9 = tpu.memref_slice %arg3[%rem3A_8, %add3A, %dma_start3A] : memref<26x32x100001xf32, #tpu.memory_space<hbm>> -> memref<1x1x100001xf32, #tpu.memory_space<hbm>>
      %dma_start3A_10 = tpu.memref_squeeze %dma_start3A_9 : memref<1x1x100001xf32, #tpu.memory_space<hbm>> -> memref<100001xf32, #tpu.memory_space<hbm>>
      %dma_start3A_11 = arith.constant 0 : i32
      %dma_start3A_12 = tpu.memref_slice %arg3[%rem3A_8, %add3A, %dma_start3A_11] : memref<26x32x100001xf32, #tpu.memory_space<hbm>> -> memref<1x1x100001xf32, #tpu.memory_space<hbm>>
      %dma_start3A_13 = tpu.memref_squeeze %dma_start3A_12 : memref<1x1x100001xf32, #tpu.memory_space<hbm>> -> memref<100001xf32, #tpu.memory_space<hbm>>
      tpu.enqueue_dma source(%dma_start3A_13 : memref<100001xf32, #tpu.memory_space<hbm>>) target(%arg5 : memref<100001xf32, #tpu.memory_space<vmem>>) target_semaphore(%arg9 : memref<!tpu.dma_semaphore, #tpu.memory_space<semaphore_mem>>)
      %lt3A = arith.constant 16 : i32
      %lt3A_14 = arith.cmpi slt, %rem3A_8, %lt3A : i32
      %convert_element_type3A = arith.extui %lt3A_14 : i1 to i32
      %cond3A = arith.constant 0 : i32
      %cond3A_15 = arith.cmpi ne, %convert_element_type3A, %cond3A : i32
      scf.if %cond3A_15 {
        %dma_start3A_341 = arith.constant 0 : i32
        %dma_start3A_342 = arith.constant 0 : i32
        %dma_start3A_343 = tpu.memref_slice %arg6[%dma_start3A_341, %dma_start3A_342] : memref<2x4096xi32, #tpu.memory_space<vmem>> -> memref<1x4096xi32, #tpu.memory_space<vmem>>
        %dma_start3A_344 = tpu.memref_squeeze %dma_start3A_343 : memref<1x4096xi32, #tpu.memory_space<vmem>> -> memref<4096xi32, #tpu.memory_space<vmem>>
        %dma_start3A_345 = arith.constant 0 : i32
        %dma_start3A_346 = tpu.memref_slice %arg8[%rem3A_8, %dma_start3A_345] : memref<16x16384xi32, #tpu.memory_space<vmem_shared>> -> memref<1x4096xi32, #tpu.memory_space<vmem_shared>>
        %dma_start3A_347 = tpu.memref_squeeze %dma_start3A_346 : memref<1x4096xi32, #tpu.memory_space<vmem_shared>> -> memref<4096xi32, #tpu.memory_space<vmem_shared>>
        %dma_start3A_348 = arith.constant 0 : i32
        %dma_start3A_349 = tpu.memref_slice %arg6[%dma_start3A_341, %dma_start3A_348] : memref<2x4096xi32, #tpu.memory_space<vmem>> -> memref<1x4096xi32, #tpu.memory_space<vmem>>
        %dma_start3A_350 = tpu.memref_squeeze %dma_start3A_349 : memref<1x4096xi32, #tpu.memory_space<vmem>> -> memref<4096xi32, #tpu.memory_space<vmem>>
        %dma_start3A_351 = arith.constant 0 : i32
        %dma_start3A_352 = tpu.memref_slice %arg8[%rem3A_8, %dma_start3A_351] : memref<16x16384xi32, #tpu.memory_space<vmem_shared>> -> memref<1x4096xi32, #tpu.memory_space<vmem_shared>>
        %dma_start3A_353 = tpu.memref_squeeze %dma_start3A_352 : memref<1x4096xi32, #tpu.memory_space<vmem_shared>> -> memref<4096xi32, #tpu.memory_space<vmem_shared>>
        tpu.enqueue_dma source(%dma_start3A_353 : memref<4096xi32, #tpu.memory_space<vmem_shared>>) target(%dma_start3A_350 : memref<4096xi32, #tpu.memory_space<vmem>>) target_semaphore(%arg10 : memref<!tpu.dma_semaphore, #tpu.memory_space<semaphore_mem>>)
      } else {
      }
      %ge3A = arith.constant 16 : i32
      %ge3A_16 = arith.cmpi sge, %rem3A_8, %ge3A : i32
      %convert_element_type3A_17 = arith.extui %ge3A_16 : i1 to i32
      %cond3A_18 = arith.constant 0 : i32
      %cond3A_19 = arith.cmpi ne, %convert_element_type3A_17, %cond3A_18 : i32
      scf.if %cond3A_19 {
        %dma_start3A_341 = arith.constant 0 : i32
        %dma_start3A_342 = arith.constant 0 : i32
        %dma_start3A_343 = tpu.memref_slice %arg6[%dma_start3A_341, %dma_start3A_342] : memref<2x4096xi32, #tpu.memory_space<vmem>> -> memref<1x4096xi32, #tpu.memory_space<vmem>>
        %dma_start3A_344 = tpu.memref_squeeze %dma_start3A_343 : memref<1x4096xi32, #tpu.memory_space<vmem>> -> memref<4096xi32, #tpu.memory_space<vmem>>
        %dma_start3A_345 = arith.constant 0 : i32
        %dma_start3A_346 = tpu.memref_slice %arg2[%rem3A_8, %dma_start3A_345] : memref<26x16384xi32, #tpu.memory_space<hbm>> -> memref<1x4096xi32, #tpu.memory_space<hbm>>
        %dma_start3A_347 = tpu.memref_squeeze %dma_start3A_346 : memref<1x4096xi32, #tpu.memory_space<hbm>> -> memref<4096xi32, #tpu.memory_space<hbm>>
        %dma_start3A_348 = arith.constant 0 : i32
        %dma_start3A_349 = tpu.memref_slice %arg6[%dma_start3A_341, %dma_start3A_348] : memref<2x4096xi32, #tpu.memory_space<vmem>> -> memref<1x4096xi32, #tpu.memory_space<vmem>>
        %dma_start3A_350 = tpu.memref_squeeze %dma_start3A_349 : memref<1x4096xi32, #tpu.memory_space<vmem>> -> memref<4096xi32, #tpu.memory_space<vmem>>
        %dma_start3A_351 = arith.constant 0 : i32
        %dma_start3A_352 = tpu.memref_slice %arg2[%rem3A_8, %dma_start3A_351] : memref<26x16384xi32, #tpu.memory_space<hbm>> -> memref<1x4096xi32, #tpu.memory_space<hbm>>
        %dma_start3A_353 = tpu.memref_squeeze %dma_start3A_352 : memref<1x4096xi32, #tpu.memory_space<hbm>> -> memref<4096xi32, #tpu.memory_space<hbm>>
        tpu.enqueue_dma source(%dma_start3A_353 : memref<4096xi32, #tpu.memory_space<hbm>>) target(%dma_start3A_350 : memref<4096xi32, #tpu.memory_space<vmem>>) target_semaphore(%arg10 : memref<!tpu.dma_semaphore, #tpu.memory_space<semaphore_mem>>)
      } else {
      }
      %dma_wait3A = arith.constant 0 : i32
      %dma_wait3A_20 = tpu.memref_slice %arg3[%rem3A_8, %add3A, %dma_wait3A] : memref<26x32x100001xf32, #tpu.memory_space<hbm>> -> memref<1x1x100001xf32, #tpu.memory_space<hbm>>
      %dma_wait3A_21 = tpu.memref_squeeze %dma_wait3A_20 : memref<1x1x100001xf32, #tpu.memory_space<hbm>> -> memref<100001xf32, #tpu.memory_space<hbm>>
      %dma_wait3A_22 = arith.constant 0 : i32
      %dma_wait3A_23 = tpu.memref_slice %arg3[%rem3A_8, %add3A, %dma_wait3A_22] : memref<26x32x100001xf32, #tpu.memory_space<hbm>> -> memref<1x1x100001xf32, #tpu.memory_space<hbm>>
      %dma_wait3A_24 = tpu.memref_squeeze %dma_wait3A_23 : memref<1x1x100001xf32, #tpu.memory_space<hbm>> -> memref<100001xf32, #tpu.memory_space<hbm>>
      tpu.wait_dma2 semaphore(%arg9 : memref<!tpu.dma_semaphore, #tpu.memory_space<semaphore_mem>>) src(%dma_wait3A_24 : memref<100001xf32, #tpu.memory_space<hbm>>) dst(%arg5 : memref<100001xf32, #tpu.memory_space<vmem>>)
      %mul3A_25 = arith.constant 32 : i32
      %mul3A_26 = arith.muli %rem3A_8, %mul3A_25 : i32
      %add3A_27 = arith.addi %mul3A_26, %add3A : i32
      %lt3A_28 = arith.constant 16 : i32
      %lt3A_29 = arith.cmpi slt, %rem3A_8, %lt3A_28 : i32
      %convert_element_type3A_30 = arith.extui %lt3A_29 : i1 to i32
      %cond3A_31 = arith.constant 0 : i32
      %cond3A_32 = arith.cmpi ne, %convert_element_type3A_30, %cond3A_31 : i32
      scf.if %cond3A_32 {
        %dma_start3A_341 = arith.constant 1 : i32
        %dma_start3A_342 = arith.constant 0 : i32
        %dma_start3A_343 = tpu.memref_slice %arg6[%dma_start3A_341, %dma_start3A_342] : memref<2x4096xi32, #tpu.memory_space<vmem>> -> memref<1x4096xi32, #tpu.memory_space<vmem>>
        %dma_start3A_344 = tpu.memref_squeeze %dma_start3A_343 : memref<1x4096xi32, #tpu.memory_space<vmem>> -> memref<4096xi32, #tpu.memory_space<vmem>>
        %dma_start3A_345 = arith.constant 4096 : i32
        %dma_start3A_346 = tpu.memref_slice %arg8[%rem3A_8, %dma_start3A_345] : memref<16x16384xi32, #tpu.memory_space<vmem_shared>> -> memref<1x4096xi32, #tpu.memory_space<vmem_shared>>
        %dma_start3A_347 = tpu.memref_squeeze %dma_start3A_346 : memref<1x4096xi32, #tpu.memory_space<vmem_shared>> -> memref<4096xi32, #tpu.memory_space<vmem_shared>>
        %dma_start3A_348 = arith.constant 0 : i32
        %dma_start3A_349 = tpu.memref_slice %arg6[%dma_start3A_341, %dma_start3A_348] : memref<2x4096xi32, #tpu.memory_space<vmem>> -> memref<1x4096xi32, #tpu.memory_space<vmem>>
        %dma_start3A_350 = tpu.memref_squeeze %dma_start3A_349 : memref<1x4096xi32, #tpu.memory_space<vmem>> -> memref<4096xi32, #tpu.memory_space<vmem>>
        %dma_start3A_351 = arith.constant 4096 : i32
        %dma_start3A_352 = tpu.memref_slice %arg8[%rem3A_8, %dma_start3A_351] : memref<16x16384xi32, #tpu.memory_space<vmem_shared>> -> memref<1x4096xi32, #tpu.memory_space<vmem_shared>>
        %dma_start3A_353 = tpu.memref_squeeze %dma_start3A_352 : memref<1x4096xi32, #tpu.memory_space<vmem_shared>> -> memref<4096xi32, #tpu.memory_space<vmem_shared>>
        tpu.enqueue_dma source(%dma_start3A_353 : memref<4096xi32, #tpu.memory_space<vmem_shared>>) target(%dma_start3A_350 : memref<4096xi32, #tpu.memory_space<vmem>>) target_semaphore(%arg11 : memref<!tpu.dma_semaphore, #tpu.memory_space<semaphore_mem>>)
      } else {
      }
      %ge3A_33 = arith.constant 16 : i32
      %ge3A_34 = arith.cmpi sge, %rem3A_8, %ge3A_33 : i32
      %convert_element_type3A_35 = arith.extui %ge3A_34 : i1 to i32
      %cond3A_36 = arith.constant 0 : i32
      %cond3A_37 = arith.cmpi ne, %convert_element_type3A_35, %cond3A_36 : i32
      scf.if %cond3A_37 {
        %dma_start3A_341 = arith.constant 1 : i32
        %dma_start3A_342 = arith.constant 0 : i32
        %dma_start3A_343 = tpu.memref_slice %arg6[%dma_start3A_341, %dma_start3A_342] : memref<2x4096xi32, #tpu.memory_space<vmem>> -> memref<1x4096xi32, #tpu.memory_space<vmem>>
        %dma_start3A_344 = tpu.memref_squeeze %dma_start3A_343 : memref<1x4096xi32, #tpu.memory_space<vmem>> -> memref<4096xi32, #tpu.memory_space<vmem>>
        %dma_start3A_345 = arith.constant 4096 : i32
        %dma_start3A_346 = tpu.memref_slice %arg2[%rem3A_8, %dma_start3A_345] : memref<26x16384xi32, #tpu.memory_space<hbm>> -> memref<1x4096xi32, #tpu.memory_space<hbm>>
        %dma_start3A_347 = tpu.memref_squeeze %dma_start3A_346 : memref<1x4096xi32, #tpu.memory_space<hbm>> -> memref<4096xi32, #tpu.memory_space<hbm>>
        %dma_start3A_348 = arith.constant 0 : i32
        %dma_start3A_349 = tpu.memref_slice %arg6[%dma_start3A_341, %dma_start3A_348] : memref<2x4096xi32, #tpu.memory_space<vmem>> -> memref<1x4096xi32, #tpu.memory_space<vmem>>
        %dma_start3A_350 = tpu.memref_squeeze %dma_start3A_349 : memref<1x4096xi32, #tpu.memory_space<vmem>> -> memref<4096xi32, #tpu.memory_space<vmem>>
        %dma_start3A_351 = arith.constant 4096 : i32
        %dma_start3A_352 = tpu.memref_slice %arg2[%rem3A_8, %dma_start3A_351] : memref<26x16384xi32, #tpu.memory_space<hbm>> -> memref<1x4096xi32, #tpu.memory_space<hbm>>
        %dma_start3A_353 = tpu.memref_squeeze %dma_start3A_352 : memref<1x4096xi32, #tpu.memory_space<hbm>> -> memref<4096xi32, #tpu.memory_space<hbm>>
        tpu.enqueue_dma source(%dma_start3A_353 : memref<4096xi32, #tpu.memory_space<hbm>>) target(%dma_start3A_350 : memref<4096xi32, #tpu.memory_space<vmem>>) target_semaphore(%arg11 : memref<!tpu.dma_semaphore, #tpu.memory_space<semaphore_mem>>)
      } else {
      }
      %dma_wait3A_38 = arith.constant 0 : i32
      %dma_wait3A_39 = arith.constant 0 : i32
      %dma_wait3A_40 = tpu.memref_slice %arg6[%dma_wait3A_38, %dma_wait3A_39] : memref<2x4096xi32, #tpu.memory_space<vmem>> -> memref<1x4096xi32, #tpu.memory_space<vmem>>
      %dma_wait3A_41 = tpu.memref_squeeze %dma_wait3A_40 : memref<1x4096xi32, #tpu.memory_space<vmem>> -> memref<4096xi32, #tpu.memory_space<vmem>>
      %dma_wait3A_42 = arith.constant 0 : i32
      %dma_wait3A_43 = tpu.memref_slice %arg2[%rem3A_8, %dma_wait3A_42] : memref<26x16384xi32, #tpu.memory_space<hbm>> -> memref<1x4096xi32, #tpu.memory_space<hbm>>
      %dma_wait3A_44 = tpu.memref_squeeze %dma_wait3A_43 : memref<1x4096xi32, #tpu.memory_space<hbm>> -> memref<4096xi32, #tpu.memory_space<hbm>>
      %dma_wait3A_45 = arith.constant 0 : i32
      %dma_wait3A_46 = tpu.memref_slice %arg6[%dma_wait3A_38, %dma_wait3A_45] : memref<2x4096xi32, #tpu.memory_space<vmem>> -> memref<1x4096xi32, #tpu.memory_space<vmem>>
      %dma_wait3A_47 = tpu.memref_squeeze %dma_wait3A_46 : memref<1x4096xi32, #tpu.memory_space<vmem>> -> memref<4096xi32, #tpu.memory_space<vmem>>
      %dma_wait3A_48 = arith.constant 0 : i32
      %dma_wait3A_49 = tpu.memref_slice %arg2[%rem3A_8, %dma_wait3A_48] : memref<26x16384xi32, #tpu.memory_space<hbm>> -> memref<1x4096xi32, #tpu.memory_space<hbm>>
      %dma_wait3A_50 = tpu.memref_squeeze %dma_wait3A_49 : memref<1x4096xi32, #tpu.memory_space<hbm>> -> memref<4096xi32, #tpu.memory_space<hbm>>
      tpu.wait_dma2 semaphore(%arg10 : memref<!tpu.dma_semaphore, #tpu.memory_space<semaphore_mem>>) src(%dma_wait3A_50 : memref<4096xi32, #tpu.memory_space<hbm>>) dst(%dma_wait3A_47 : memref<4096xi32, #tpu.memory_space<vmem>>)
      %parallel_loop3A = arith.constant 0 : i32
      %parallel_loop3A_51 = arith.constant 128 : i32
      %parallel_loop3A_52 = arith.constant 1 : i32
      scf.for %parallel_loop3A_341 = %parallel_loop3A to %parallel_loop3A_51 step %parallel_loop3A_52  : i32 {
        %parallel_loop3A_342 = arith.constant 16 : i32
        %parallel_loop3A_343 = arith.muli %parallel_loop3A_341, %parallel_loop3A_342 : i32
        %parallel_loop3A_344 = arith.constant 0 : i32
        %parallel_loop3A_345 = arith.addi %parallel_loop3A_344, %parallel_loop3A_343 : i32
        %parallel_loop3A_346 = arith.constant 0 : i32
        %parallel_loop3A_347 = arith.index_cast %parallel_loop3A_346 : i32 to index
        %parallel_loop3A_348 = arith.index_cast %parallel_loop3A_345 : i32 to index
        %parallel_loop3A_349 = tpu.vector_load %arg6[%parallel_loop3A_347, %parallel_loop3A_348] {strides = array<i32>} : memref<2x4096xi32, #tpu.memory_space<vmem>>, vector<16xi32>,
        %parallel_loop3A_350 = tpu.vector_load_idx %arg5[%parallel_loop3A_349] : memref<100001xf32, #tpu.memory_space<vmem>>[vector<16xi32>], vector<16xf32>,
        %parallel_loop3A_351 = arith.constant 16 : i32
        %parallel_loop3A_352 = arith.muli %parallel_loop3A_341, %parallel_loop3A_351 : i32
        %parallel_loop3A_353 = arith.constant 0 : i32
        %parallel_loop3A_354 = arith.index_cast %parallel_loop3A_353 : i32 to index
        %parallel_loop3A_355 = arith.index_cast %parallel_loop3A_352 : i32 to index
        %parallel_loop3A_356 = tpu.vector_load %arg7[%parallel_loop3A_354, %parallel_loop3A_355] {strides = array<i32>} : memref<2x2048xf32, #tpu.memory_space<vmem>>, vector<16xf32>,
        tpu.vector_store %arg7[%parallel_loop3A_354, %parallel_loop3A_355], %parallel_loop3A_350 {strides = array<i32>} : memref<2x2048xf32, #tpu.memory_space<vmem>>, vector<16xf32>,
      } {sc.loop_unroll_factor = 8 : i64, sc.parallel_access}
      %dma_start3A_53 = arith.constant 0 : i32
      %dma_start3A_54 = arith.constant 0 : i32
      %dma_start3A_55 = tpu.memref_slice %arg7[%dma_start3A_53, %dma_start3A_54] : memref<2x2048xf32, #tpu.memory_space<vmem>> -> memref<1x2048xf32, #tpu.memory_space<vmem>>
      %dma_start3A_56 = tpu.memref_squeeze %dma_start3A_55 : memref<1x2048xf32, #tpu.memory_space<vmem>> -> memref<2048xf32, #tpu.memory_space<vmem>>
      %dma_start3A_57 = arith.constant 0 : i32
      %dma_start3A_58 = tpu.memref_slice %arg4[%add3A_27, %dma_start3A_57] : memref<832x16384xf32, #tpu.memory_space<hbm>> -> memref<1x2048xf32, #tpu.memory_space<hbm>>
      %dma_start3A_59 = tpu.memref_squeeze %dma_start3A_58 : memref<1x2048xf32, #tpu.memory_space<hbm>> -> memref<2048xf32, #tpu.memory_space<hbm>>
      %dma_start3A_60 = arith.constant 0 : i32
      %dma_start3A_61 = tpu.memref_slice %arg4[%add3A_27, %dma_start3A_60] : memref<832x16384xf32, #tpu.memory_space<hbm>> -> memref<1x2048xf32, #tpu.memory_space<hbm>>
      %dma_start3A_62 = tpu.memref_squeeze %dma_start3A_61 : memref<1x2048xf32, #tpu.memory_space<hbm>> -> memref<2048xf32, #tpu.memory_space<hbm>>
      %dma_start3A_63 = arith.constant 0 : i32
      %dma_start3A_64 = tpu.memref_slice %arg7[%dma_start3A_53, %dma_start3A_63] : memref<2x2048xf32, #tpu.memory_space<vmem>> -> memref<1x2048xf32, #tpu.memory_space<vmem>>
      %dma_start3A_65 = tpu.memref_squeeze %dma_start3A_64 : memref<1x2048xf32, #tpu.memory_space<vmem>> -> memref<2048xf32, #tpu.memory_space<vmem>>
      tpu.enqueue_dma source(%dma_start3A_65 : memref<2048xf32, #tpu.memory_space<vmem>>) target(%dma_start3A_62 : memref<2048xf32, #tpu.memory_space<hbm>>) target_semaphore(%arg12 : memref<!tpu.dma_semaphore, #tpu.memory_space<semaphore_mem>>)
      %parallel_loop3A_66 = arith.constant 0 : i32
      %parallel_loop3A_67 = arith.constant 128 : i32
      %parallel_loop3A_68 = arith.constant 1 : i32
      scf.for %parallel_loop3A_341 = %parallel_loop3A_66 to %parallel_loop3A_67 step %parallel_loop3A_68  : i32 {
        %parallel_loop3A_342 = arith.constant 16 : i32
        %parallel_loop3A_343 = arith.muli %parallel_loop3A_341, %parallel_loop3A_342 : i32
        %parallel_loop3A_344 = arith.constant 2048 : i32
        %parallel_loop3A_345 = arith.addi %parallel_loop3A_344, %parallel_loop3A_343 : i32
        %parallel_loop3A_346 = arith.constant 0 : i32
        %parallel_loop3A_347 = arith.index_cast %parallel_loop3A_346 : i32 to index
        %parallel_loop3A_348 = arith.index_cast %parallel_loop3A_345 : i32 to index
        %parallel_loop3A_349 = tpu.vector_load %arg6[%parallel_loop3A_347, %parallel_loop3A_348] {strides = array<i32>} : memref<2x4096xi32, #tpu.memory_space<vmem>>, vector<16xi32>,
        %parallel_loop3A_350 = tpu.vector_load_idx %arg5[%parallel_loop3A_349] : memref<100001xf32, #tpu.memory_space<vmem>>[vector<16xi32>], vector<16xf32>,
        %parallel_loop3A_351 = arith.constant 16 : i32
        %parallel_loop3A_352 = arith.muli %parallel_loop3A_341, %parallel_loop3A_351 : i32
        %parallel_loop3A_353 = arith.constant 1 : i32
        %parallel_loop3A_354 = arith.index_cast %parallel_loop3A_353 : i32 to index
        %parallel_loop3A_355 = arith.index_cast %parallel_loop3A_352 : i32 to index
        %parallel_loop3A_356 = tpu.vector_load %arg7[%parallel_loop3A_354, %parallel_loop3A_355] {strides = array<i32>} : memref<2x2048xf32, #tpu.memory_space<vmem>>, vector<16xf32>,
        tpu.vector_store %arg7[%parallel_loop3A_354, %parallel_loop3A_355], %parallel_loop3A_350 {strides = array<i32>} : memref<2x2048xf32, #tpu.memory_space<vmem>>, vector<16xf32>,
      } {sc.loop_unroll_factor = 8 : i64, sc.parallel_access}
      %dma_start3A_69 = arith.constant 1 : i32
      %dma_start3A_70 = arith.constant 0 : i32
      %dma_start3A_71 = tpu.memref_slice %arg7[%dma_start3A_69, %dma_start3A_70] : memref<2x2048xf32, #tpu.memory_space<vmem>> -> memref<1x2048xf32, #tpu.memory_space<vmem>>
      %dma_start3A_72 = tpu.memref_squeeze %dma_start3A_71 : memref<1x2048xf32, #tpu.memory_space<vmem>> -> memref<2048xf32, #tpu.memory_space<vmem>>
      %dma_start3A_73 = arith.constant 2048 : i32
      %dma_start3A_74 = tpu.memref_slice %arg4[%add3A_27, %dma_start3A_73] : memref<832x16384xf32, #tpu.memory_space<hbm>> -> memref<1x2048xf32, #tpu.memory_space<hbm>>
      %dma_start3A_75 = tpu.memref_squeeze %dma_start3A_74 : memref<1x2048xf32, #tpu.memory_space<hbm>> -> memref<2048xf32, #tpu.memory_space<hbm>>
      %dma_start3A_76 = arith.constant 2048 : i32
      %dma_start3A_77 = tpu.memref_slice %arg4[%add3A_27, %dma_start3A_76] : memref<832x16384xf32, #tpu.memory_space<hbm>> -> memref<1x2048xf32, #tpu.memory_space<hbm>>
      %dma_start3A_78 = tpu.memref_squeeze %dma_start3A_77 : memref<1x2048xf32, #tpu.memory_space<hbm>> -> memref<2048xf32, #tpu.memory_space<hbm>>
      %dma_start3A_79 = arith.constant 0 : i32
      %dma_start3A_80 = tpu.memref_slice %arg7[%dma_start3A_69, %dma_start3A_79] : memref<2x2048xf32, #tpu.memory_space<vmem>> -> memref<1x2048xf32, #tpu.memory_space<vmem>>
      %dma_start3A_81 = tpu.memref_squeeze %dma_start3A_80 : memref<1x2048xf32, #tpu.memory_space<vmem>> -> memref<2048xf32, #tpu.memory_space<vmem>>
      tpu.enqueue_dma source(%dma_start3A_81 : memref<2048xf32, #tpu.memory_space<vmem>>) target(%dma_start3A_78 : memref<2048xf32, #tpu.memory_space<hbm>>) target_semaphore(%arg13 : memref<!tpu.dma_semaphore, #tpu.memory_space<semaphore_mem>>)
      %lt3A_82 = arith.constant 16 : i32
      %lt3A_83 = arith.cmpi slt, %rem3A_8, %lt3A_82 : i32
      %convert_element_type3A_84 = arith.extui %lt3A_83 : i1 to i32
      %cond3A_85 = arith.constant 0 : i32
      %cond3A_86 = arith.cmpi ne, %convert_element_type3A_84, %cond3A_85 : i32
      scf.if %cond3A_86 {
        %dma_start3A_341 = arith.constant 0 : i32
        %dma_start3A_342 = arith.constant 0 : i32
        %dma_start3A_343 = tpu.memref_slice %arg6[%dma_start3A_341, %dma_start3A_342] : memref<2x4096xi32, #tpu.memory_space<vmem>> -> memref<1x4096xi32, #tpu.memory_space<vmem>>
        %dma_start3A_344 = tpu.memref_squeeze %dma_start3A_343 : memref<1x4096xi32, #tpu.memory_space<vmem>> -> memref<4096xi32, #tpu.memory_space<vmem>>
        %dma_start3A_345 = arith.constant 8192 : i32
        %dma_start3A_346 = tpu.memref_slice %arg8[%rem3A_8, %dma_start3A_345] : memref<16x16384xi32, #tpu.memory_space<vmem_shared>> -> memref<1x4096xi32, #tpu.memory_space<vmem_shared>>
        %dma_start3A_347 = tpu.memref_squeeze %dma_start3A_346 : memref<1x4096xi32, #tpu.memory_space<vmem_shared>> -> memref<4096xi32, #tpu.memory_space<vmem_shared>>
        %dma_start3A_348 = arith.constant 0 : i32
        %dma_start3A_349 = tpu.memref_slice %arg6[%dma_start3A_341, %dma_start3A_348] : memref<2x4096xi32, #tpu.memory_space<vmem>> -> memref<1x4096xi32, #tpu.memory_space<vmem>>
        %dma_start3A_350 = tpu.memref_squeeze %dma_start3A_349 : memref<1x4096xi32, #tpu.memory_space<vmem>> -> memref<4096xi32, #tpu.memory_space<vmem>>
        %dma_start3A_351 = arith.constant 8192 : i32
        %dma_start3A_352 = tpu.memref_slice %arg8[%rem3A_8, %dma_start3A_351] : memref<16x16384xi32, #tpu.memory_space<vmem_shared>> -> memref<1x4096xi32, #tpu.memory_space<vmem_shared>>
        %dma_start3A_353 = tpu.memref_squeeze %dma_start3A_352 : memref<1x4096xi32, #tpu.memory_space<vmem_shared>> -> memref<4096xi32, #tpu.memory_space<vmem_shared>>
        tpu.enqueue_dma source(%dma_start3A_353 : memref<4096xi32, #tpu.memory_space<vmem_shared>>) target(%dma_start3A_350 : memref<4096xi32, #tpu.memory_space<vmem>>) target_semaphore(%arg10 : memref<!tpu.dma_semaphore, #tpu.memory_space<semaphore_mem>>)
      } else {
      }
      %ge3A_87 = arith.constant 16 : i32
      %ge3A_88 = arith.cmpi sge, %rem3A_8, %ge3A_87 : i32
      %convert_element_type3A_89 = arith.extui %ge3A_88 : i1 to i32
      %cond3A_90 = arith.constant 0 : i32
      %cond3A_91 = arith.cmpi ne, %convert_element_type3A_89, %cond3A_90 : i32
      scf.if %cond3A_91 {
        %dma_start3A_341 = arith.constant 0 : i32
        %dma_start3A_342 = arith.constant 0 : i32
        %dma_start3A_343 = tpu.memref_slice %arg6[%dma_start3A_341, %dma_start3A_342] : memref<2x4096xi32, #tpu.memory_space<vmem>> -> memref<1x4096xi32, #tpu.memory_space<vmem>>
        %dma_start3A_344 = tpu.memref_squeeze %dma_start3A_343 : memref<1x4096xi32, #tpu.memory_space<vmem>> -> memref<4096xi32, #tpu.memory_space<vmem>>
        %dma_start3A_345 = arith.constant 8192 : i32
        %dma_start3A_346 = tpu.memref_slice %arg2[%rem3A_8, %dma_start3A_345] : memref<26x16384xi32, #tpu.memory_space<hbm>> -> memref<1x4096xi32, #tpu.memory_space<hbm>>
        %dma_start3A_347 = tpu.memref_squeeze %dma_start3A_346 : memref<1x4096xi32, #tpu.memory_space<hbm>> -> memref<4096xi32, #tpu.memory_space<hbm>>
        %dma_start3A_348 = arith.constant 0 : i32
        %dma_start3A_349 = tpu.memref_slice %arg6[%dma_start3A_341, %dma_start3A_348] : memref<2x4096xi32, #tpu.memory_space<vmem>> -> memref<1x4096xi32, #tpu.memory_space<vmem>>
        %dma_start3A_350 = tpu.memref_squeeze %dma_start3A_349 : memref<1x4096xi32, #tpu.memory_space<vmem>> -> memref<4096xi32, #tpu.memory_space<vmem>>
        %dma_start3A_351 = arith.constant 8192 : i32
        %dma_start3A_352 = tpu.memref_slice %arg2[%rem3A_8, %dma_start3A_351] : memref<26x16384xi32, #tpu.memory_space<hbm>> -> memref<1x4096xi32, #tpu.memory_space<hbm>>
        %dma_start3A_353 = tpu.memref_squeeze %dma_start3A_352 : memref<1x4096xi32, #tpu.memory_space<hbm>> -> memref<4096xi32, #tpu.memory_space<hbm>>
        tpu.enqueue_dma source(%dma_start3A_353 : memref<4096xi32, #tpu.memory_space<hbm>>) target(%dma_start3A_350 : memref<4096xi32, #tpu.memory_space<vmem>>) target_semaphore(%arg10 : memref<!tpu.dma_semaphore, #tpu.memory_space<semaphore_mem>>)
      } else {
      }
      %dma_wait3A_92 = arith.constant 1 : i32
      %dma_wait3A_93 = arith.constant 0 : i32
      %dma_wait3A_94 = tpu.memref_slice %arg6[%dma_wait3A_92, %dma_wait3A_93] : memref<2x4096xi32, #tpu.memory_space<vmem>> -> memref<1x4096xi32, #tpu.memory_space<vmem>>
      %dma_wait3A_95 = tpu.memref_squeeze %dma_wait3A_94 : memref<1x4096xi32, #tpu.memory_space<vmem>> -> memref<4096xi32, #tpu.memory_space<vmem>>
      %dma_wait3A_96 = arith.constant 0 : i32
      %dma_wait3A_97 = tpu.memref_slice %arg2[%rem3A_8, %dma_wait3A_96] : memref<26x16384xi32, #tpu.memory_space<hbm>> -> memref<1x4096xi32, #tpu.memory_space<hbm>>
      %dma_wait3A_98 = tpu.memref_squeeze %dma_wait3A_97 : memref<1x4096xi32, #tpu.memory_space<hbm>> -> memref<4096xi32, #tpu.memory_space<hbm>>
      %dma_wait3A_99 = arith.constant 0 : i32
      %dma_wait3A_100 = tpu.memref_slice %arg6[%dma_wait3A_92, %dma_wait3A_99] : memref<2x4096xi32, #tpu.memory_space<vmem>> -> memref<1x4096xi32, #tpu.memory_space<vmem>>
      %dma_wait3A_101 = tpu.memref_squeeze %dma_wait3A_100 : memref<1x4096xi32, #tpu.memory_space<vmem>> -> memref<4096xi32, #tpu.memory_space<vmem>>
      %dma_wait3A_102 = arith.constant 0 : i32
      %dma_wait3A_103 = tpu.memref_slice %arg2[%rem3A_8, %dma_wait3A_102] : memref<26x16384xi32, #tpu.memory_space<hbm>> -> memref<1x4096xi32, #tpu.memory_space<hbm>>
      %dma_wait3A_104 = tpu.memref_squeeze %dma_wait3A_103 : memref<1x4096xi32, #tpu.memory_space<hbm>> -> memref<4096xi32, #tpu.memory_space<hbm>>
      tpu.wait_dma2 semaphore(%arg11 : memref<!tpu.dma_semaphore, #tpu.memory_space<semaphore_mem>>) src(%dma_wait3A_104 : memref<4096xi32, #tpu.memory_space<hbm>>) dst(%dma_wait3A_101 : memref<4096xi32, #tpu.memory_space<vmem>>)
      %dma_wait3A_105 = arith.constant 0 : i32
      %dma_wait3A_106 = arith.constant 0 : i32
      %dma_wait3A_107 = tpu.memref_slice %arg7[%dma_wait3A_105, %dma_wait3A_106] : memref<2x2048xf32, #tpu.memory_space<vmem>> -> memref<1x2048xf32, #tpu.memory_space<vmem>>
      %dma_wait3A_108 = tpu.memref_squeeze %dma_wait3A_107 : memref<1x2048xf32, #tpu.memory_space<vmem>> -> memref<2048xf32, #tpu.memory_space<vmem>>
      %dma_wait3A_109 = arith.constant 0 : i32
      %dma_wait3A_110 = tpu.memref_slice %arg4[%add3A_27, %dma_wait3A_109] : memref<832x16384xf32, #tpu.memory_space<hbm>> -> memref<1x2048xf32, #tpu.memory_space<hbm>>
      %dma_wait3A_111 = tpu.memref_squeeze %dma_wait3A_110 : memref<1x2048xf32, #tpu.memory_space<hbm>> -> memref<2048xf32, #tpu.memory_space<hbm>>
      %dma_wait3A_112 = arith.constant 0 : i32
      %dma_wait3A_113 = tpu.memref_slice %arg4[%add3A_27, %dma_wait3A_112] : memref<832x16384xf32, #tpu.memory_space<hbm>> -> memref<1x2048xf32, #tpu.memory_space<hbm>>
      %dma_wait3A_114 = tpu.memref_squeeze %dma_wait3A_113 : memref<1x2048xf32, #tpu.memory_space<hbm>> -> memref<2048xf32, #tpu.memory_space<hbm>>
      %dma_wait3A_115 = arith.constant 0 : i32
      %dma_wait3A_116 = tpu.memref_slice %arg7[%dma_wait3A_105, %dma_wait3A_115] : memref<2x2048xf32, #tpu.memory_space<vmem>> -> memref<1x2048xf32, #tpu.memory_space<vmem>>
      %dma_wait3A_117 = tpu.memref_squeeze %dma_wait3A_116 : memref<1x2048xf32, #tpu.memory_space<vmem>> -> memref<2048xf32, #tpu.memory_space<vmem>>
      tpu.wait_dma2 semaphore(%arg12 : memref<!tpu.dma_semaphore, #tpu.memory_space<semaphore_mem>>) src(%dma_wait3A_117 : memref<2048xf32, #tpu.memory_space<vmem>>) dst(%dma_wait3A_114 : memref<2048xf32, #tpu.memory_space<hbm>>)
      %parallel_loop3A_118 = arith.constant 0 : i32
      %parallel_loop3A_119 = arith.constant 128 : i32
      %parallel_loop3A_120 = arith.constant 1 : i32
      scf.for %parallel_loop3A_341 = %parallel_loop3A_118 to %parallel_loop3A_119 step %parallel_loop3A_120  : i32 {
        %parallel_loop3A_342 = arith.constant 16 : i32
        %parallel_loop3A_343 = arith.muli %parallel_loop3A_341, %parallel_loop3A_342 : i32
        %parallel_loop3A_344 = arith.constant 0 : i32
        %parallel_loop3A_345 = arith.addi %parallel_loop3A_344, %parallel_loop3A_343 : i32
        %parallel_loop3A_346 = arith.constant 1 : i32
        %parallel_loop3A_347 = arith.index_cast %parallel_loop3A_346 : i32 to index
        %parallel_loop3A_348 = arith.index_cast %parallel_loop3A_345 : i32 to index
        %parallel_loop3A_349 = tpu.vector_load %arg6[%parallel_loop3A_347, %parallel_loop3A_348] {strides = array<i32>} : memref<2x4096xi32, #tpu.memory_space<vmem>>, vector<16xi32>,
        %parallel_loop3A_350 = tpu.vector_load_idx %arg5[%parallel_loop3A_349] : memref<100001xf32, #tpu.memory_space<vmem>>[vector<16xi32>], vector<16xf32>,
        %parallel_loop3A_351 = arith.constant 16 : i32
        %parallel_loop3A_352 = arith.muli %parallel_loop3A_341, %parallel_loop3A_351 : i32
        %parallel_loop3A_353 = arith.constant 0 : i32
        %parallel_loop3A_354 = arith.index_cast %parallel_loop3A_353 : i32 to index
        %parallel_loop3A_355 = arith.index_cast %parallel_loop3A_352 : i32 to index
        %parallel_loop3A_356 = tpu.vector_load %arg7[%parallel_loop3A_354, %parallel_loop3A_355] {strides = array<i32>} : memref<2x2048xf32, #tpu.memory_space<vmem>>, vector<16xf32>,
        tpu.vector_store %arg7[%parallel_loop3A_354, %parallel_loop3A_355], %parallel_loop3A_350 {strides = array<i32>} : memref<2x2048xf32, #tpu.memory_space<vmem>>, vector<16xf32>,
      } {sc.loop_unroll_factor = 8 : i64, sc.parallel_access}
      %dma_start3A_121 = arith.constant 0 : i32
      %dma_start3A_122 = arith.constant 0 : i32
      %dma_start3A_123 = tpu.memref_slice %arg7[%dma_start3A_121, %dma_start3A_122] : memref<2x2048xf32, #tpu.memory_space<vmem>> -> memref<1x2048xf32, #tpu.memory_space<vmem>>
      %dma_start3A_124 = tpu.memref_squeeze %dma_start3A_123 : memref<1x2048xf32, #tpu.memory_space<vmem>> -> memref<2048xf32, #tpu.memory_space<vmem>>
      %dma_start3A_125 = arith.constant 4096 : i32
      %dma_start3A_126 = tpu.memref_slice %arg4[%add3A_27, %dma_start3A_125] : memref<832x16384xf32, #tpu.memory_space<hbm>> -> memref<1x2048xf32, #tpu.memory_space<hbm>>
      %dma_start3A_127 = tpu.memref_squeeze %dma_start3A_126 : memref<1x2048xf32, #tpu.memory_space<hbm>> -> memref<2048xf32, #tpu.memory_space<hbm>>
      %dma_start3A_128 = arith.constant 4096 : i32
      %dma_start3A_129 = tpu.memref_slice %arg4[%add3A_27, %dma_start3A_128] : memref<832x16384xf32, #tpu.memory_space<hbm>> -> memref<1x2048xf32, #tpu.memory_space<hbm>>
      %dma_start3A_130 = tpu.memref_squeeze %dma_start3A_129 : memref<1x2048xf32, #tpu.memory_space<hbm>> -> memref<2048xf32, #tpu.memory_space<hbm>>
      %dma_start3A_131 = arith.constant 0 : i32
      %dma_start3A_132 = tpu.memref_slice %arg7[%dma_start3A_121, %dma_start3A_131] : memref<2x2048xf32, #tpu.memory_space<vmem>> -> memref<1x2048xf32, #tpu.memory_space<vmem>>
      %dma_start3A_133 = tpu.memref_squeeze %dma_start3A_132 : memref<1x2048xf32, #tpu.memory_space<vmem>> -> memref<2048xf32, #tpu.memory_space<vmem>>
      tpu.enqueue_dma source(%dma_start3A_133 : memref<2048xf32, #tpu.memory_space<vmem>>) target(%dma_start3A_130 : memref<2048xf32, #tpu.memory_space<hbm>>) target_semaphore(%arg12 : memref<!tpu.dma_semaphore, #tpu.memory_space<semaphore_mem>>)
      %dma_wait3A_134 = arith.constant 1 : i32
      %dma_wait3A_135 = arith.constant 0 : i32
      %dma_wait3A_136 = tpu.memref_slice %arg7[%dma_wait3A_134, %dma_wait3A_135] : memref<2x2048xf32, #tpu.memory_space<vmem>> -> memref<1x2048xf32, #tpu.memory_space<vmem>>
      %dma_wait3A_137 = tpu.memref_squeeze %dma_wait3A_136 : memref<1x2048xf32, #tpu.memory_space<vmem>> -> memref<2048xf32, #tpu.memory_space<vmem>>
      %dma_wait3A_138 = arith.constant 2048 : i32
      %dma_wait3A_139 = tpu.memref_slice %arg4[%add3A_27, %dma_wait3A_138] : memref<832x16384xf32, #tpu.memory_space<hbm>> -> memref<1x2048xf32, #tpu.memory_space<hbm>>
      %dma_wait3A_140 = tpu.memref_squeeze %dma_wait3A_139 : memref<1x2048xf32, #tpu.memory_space<hbm>> -> memref<2048xf32, #tpu.memory_space<hbm>>
      %dma_wait3A_141 = arith.constant 2048 : i32
      %dma_wait3A_142 = tpu.memref_slice %arg4[%add3A_27, %dma_wait3A_141] : memref<832x16384xf32, #tpu.memory_space<hbm>> -> memref<1x2048xf32, #tpu.memory_space<hbm>>
      %dma_wait3A_143 = tpu.memref_squeeze %dma_wait3A_142 : memref<1x2048xf32, #tpu.memory_space<hbm>> -> memref<2048xf32, #tpu.memory_space<hbm>>
      %dma_wait3A_144 = arith.constant 0 : i32
      %dma_wait3A_145 = tpu.memref_slice %arg7[%dma_wait3A_134, %dma_wait3A_144] : memref<2x2048xf32, #tpu.memory_space<vmem>> -> memref<1x2048xf32, #tpu.memory_space<vmem>>
      %dma_wait3A_146 = tpu.memref_squeeze %dma_wait3A_145 : memref<1x2048xf32, #tpu.memory_space<vmem>> -> memref<2048xf32, #tpu.memory_space<vmem>>
      tpu.wait_dma2 semaphore(%arg13 : memref<!tpu.dma_semaphore, #tpu.memory_space<semaphore_mem>>) src(%dma_wait3A_146 : memref<2048xf32, #tpu.memory_space<vmem>>) dst(%dma_wait3A_143 : memref<2048xf32, #tpu.memory_space<hbm>>)
      %parallel_loop3A_147 = arith.constant 0 : i32
      %parallel_loop3A_148 = arith.constant 128 : i32
      %parallel_loop3A_149 = arith.constant 1 : i32
      scf.for %parallel_loop3A_341 = %parallel_loop3A_147 to %parallel_loop3A_148 step %parallel_loop3A_149  : i32 {
        %parallel_loop3A_342 = arith.constant 16 : i32
        %parallel_loop3A_343 = arith.muli %parallel_loop3A_341, %parallel_loop3A_342 : i32
        %parallel_loop3A_344 = arith.constant 2048 : i32
        %parallel_loop3A_345 = arith.addi %parallel_loop3A_344, %parallel_loop3A_343 : i32
        %parallel_loop3A_346 = arith.constant 1 : i32
        %parallel_loop3A_347 = arith.index_cast %parallel_loop3A_346 : i32 to index
        %parallel_loop3A_348 = arith.index_cast %parallel_loop3A_345 : i32 to index
        %parallel_loop3A_349 = tpu.vector_load %arg6[%parallel_loop3A_347, %parallel_loop3A_348] {strides = array<i32>} : memref<2x4096xi32, #tpu.memory_space<vmem>>, vector<16xi32>,
        %parallel_loop3A_350 = tpu.vector_load_idx %arg5[%parallel_loop3A_349] : memref<100001xf32, #tpu.memory_space<vmem>>[vector<16xi32>], vector<16xf32>,
        %parallel_loop3A_351 = arith.constant 16 : i32
        %parallel_loop3A_352 = arith.muli %parallel_loop3A_341, %parallel_loop3A_351 : i32
        %parallel_loop3A_353 = arith.constant 1 : i32
        %parallel_loop3A_354 = arith.index_cast %parallel_loop3A_353 : i32 to index
        %parallel_loop3A_355 = arith.index_cast %parallel_loop3A_352 : i32 to index
        %parallel_loop3A_356 = tpu.vector_load %arg7[%parallel_loop3A_354, %parallel_loop3A_355] {strides = array<i32>} : memref<2x2048xf32, #tpu.memory_space<vmem>>, vector<16xf32>,
        tpu.vector_store %arg7[%parallel_loop3A_354, %parallel_loop3A_355], %parallel_loop3A_350 {strides = array<i32>} : memref<2x2048xf32, #tpu.memory_space<vmem>>, vector<16xf32>,
      } {sc.loop_unroll_factor = 8 : i64, sc.parallel_access}
      %dma_start3A_150 = arith.constant 1 : i32
      %dma_start3A_151 = arith.constant 0 : i32
      %dma_start3A_152 = tpu.memref_slice %arg7[%dma_start3A_150, %dma_start3A_151] : memref<2x2048xf32, #tpu.memory_space<vmem>> -> memref<1x2048xf32, #tpu.memory_space<vmem>>
      %dma_start3A_153 = tpu.memref_squeeze %dma_start3A_152 : memref<1x2048xf32, #tpu.memory_space<vmem>> -> memref<2048xf32, #tpu.memory_space<vmem>>
      %dma_start3A_154 = arith.constant 6144 : i32
      %dma_start3A_155 = tpu.memref_slice %arg4[%add3A_27, %dma_start3A_154] : memref<832x16384xf32, #tpu.memory_space<hbm>> -> memref<1x2048xf32, #tpu.memory_space<hbm>>
      %dma_start3A_156 = tpu.memref_squeeze %dma_start3A_155 : memref<1x2048xf32, #tpu.memory_space<hbm>> -> memref<2048xf32, #tpu.memory_space<hbm>>
      %dma_start3A_157 = arith.constant 6144 : i32
      %dma_start3A_158 = tpu.memref_slice %arg4[%add3A_27, %dma_start3A_157] : memref<832x16384xf32, #tpu.memory_space<hbm>> -> memref<1x2048xf32, #tpu.memory_space<hbm>>
      %dma_start3A_159 = tpu.memref_squeeze %dma_start3A_158 : memref<1x2048xf32, #tpu.memory_space<hbm>> -> memref<2048xf32, #tpu.memory_space<hbm>>
      %dma_start3A_160 = arith.constant 0 : i32
      %dma_start3A_161 = tpu.memref_slice %arg7[%dma_start3A_150, %dma_start3A_160] : memref<2x2048xf32, #tpu.memory_space<vmem>> -> memref<1x2048xf32, #tpu.memory_space<vmem>>
      %dma_start3A_162 = tpu.memref_squeeze %dma_start3A_161 : memref<1x2048xf32, #tpu.memory_space<vmem>> -> memref<2048xf32, #tpu.memory_space<vmem>>
      tpu.enqueue_dma source(%dma_start3A_162 : memref<2048xf32, #tpu.memory_space<vmem>>) target(%dma_start3A_159 : memref<2048xf32, #tpu.memory_space<hbm>>) target_semaphore(%arg13 : memref<!tpu.dma_semaphore, #tpu.memory_space<semaphore_mem>>)
      %lt3A_163 = arith.constant 16 : i32
      %lt3A_164 = arith.cmpi slt, %rem3A_8, %lt3A_163 : i32
      %convert_element_type3A_165 = arith.extui %lt3A_164 : i1 to i32
      %cond3A_166 = arith.constant 0 : i32
      %cond3A_167 = arith.cmpi ne, %convert_element_type3A_165, %cond3A_166 : i32
      scf.if %cond3A_167 {
        %dma_start3A_341 = arith.constant 1 : i32
        %dma_start3A_342 = arith.constant 0 : i32
        %dma_start3A_343 = tpu.memref_slice %arg6[%dma_start3A_341, %dma_start3A_342] : memref<2x4096xi32, #tpu.memory_space<vmem>> -> memref<1x4096xi32, #tpu.memory_space<vmem>>
        %dma_start3A_344 = tpu.memref_squeeze %dma_start3A_343 : memref<1x4096xi32, #tpu.memory_space<vmem>> -> memref<4096xi32, #tpu.memory_space<vmem>>
        %dma_start3A_345 = arith.constant 12288 : i32
        %dma_start3A_346 = tpu.memref_slice %arg8[%rem3A_8, %dma_start3A_345] : memref<16x16384xi32, #tpu.memory_space<vmem_shared>> -> memref<1x4096xi32, #tpu.memory_space<vmem_shared>>
        %dma_start3A_347 = tpu.memref_squeeze %dma_start3A_346 : memref<1x4096xi32, #tpu.memory_space<vmem_shared>> -> memref<4096xi32, #tpu.memory_space<vmem_shared>>
        %dma_start3A_348 = arith.constant 0 : i32
        %dma_start3A_349 = tpu.memref_slice %arg6[%dma_start3A_341, %dma_start3A_348] : memref<2x4096xi32, #tpu.memory_space<vmem>> -> memref<1x4096xi32, #tpu.memory_space<vmem>>
        %dma_start3A_350 = tpu.memref_squeeze %dma_start3A_349 : memref<1x4096xi32, #tpu.memory_space<vmem>> -> memref<4096xi32, #tpu.memory_space<vmem>>
        %dma_start3A_351 = arith.constant 12288 : i32
        %dma_start3A_352 = tpu.memref_slice %arg8[%rem3A_8, %dma_start3A_351] : memref<16x16384xi32, #tpu.memory_space<vmem_shared>> -> memref<1x4096xi32, #tpu.memory_space<vmem_shared>>
        %dma_start3A_353 = tpu.memref_squeeze %dma_start3A_352 : memref<1x4096xi32, #tpu.memory_space<vmem_shared>> -> memref<4096xi32, #tpu.memory_space<vmem_shared>>
        tpu.enqueue_dma source(%dma_start3A_353 : memref<4096xi32, #tpu.memory_space<vmem_shared>>) target(%dma_start3A_350 : memref<4096xi32, #tpu.memory_space<vmem>>) target_semaphore(%arg11 : memref<!tpu.dma_semaphore, #tpu.memory_space<semaphore_mem>>)
      } else {
      }
      %ge3A_168 = arith.constant 16 : i32
      %ge3A_169 = arith.cmpi sge, %rem3A_8, %ge3A_168 : i32
      %convert_element_type3A_170 = arith.extui %ge3A_169 : i1 to i32
      %cond3A_171 = arith.constant 0 : i32
      %cond3A_172 = arith.cmpi ne, %convert_element_type3A_170, %cond3A_171 : i32
      scf.if %cond3A_172 {
        %dma_start3A_341 = arith.constant 1 : i32
        %dma_start3A_342 = arith.constant 0 : i32
        %dma_start3A_343 = tpu.memref_slice %arg6[%dma_start3A_341, %dma_start3A_342] : memref<2x4096xi32, #tpu.memory_space<vmem>> -> memref<1x4096xi32, #tpu.memory_space<vmem>>
        %dma_start3A_344 = tpu.memref_squeeze %dma_start3A_343 : memref<1x4096xi32, #tpu.memory_space<vmem>> -> memref<4096xi32, #tpu.memory_space<vmem>>
        %dma_start3A_345 = arith.constant 12288 : i32
        %dma_start3A_346 = tpu.memref_slice %arg2[%rem3A_8, %dma_start3A_345] : memref<26x16384xi32, #tpu.memory_space<hbm>> -> memref<1x4096xi32, #tpu.memory_space<hbm>>
        %dma_start3A_347 = tpu.memref_squeeze %dma_start3A_346 : memref<1x4096xi32, #tpu.memory_space<hbm>> -> memref<4096xi32, #tpu.memory_space<hbm>>
        %dma_start3A_348 = arith.constant 0 : i32
        %dma_start3A_349 = tpu.memref_slice %arg6[%dma_start3A_341, %dma_start3A_348] : memref<2x4096xi32, #tpu.memory_space<vmem>> -> memref<1x4096xi32, #tpu.memory_space<vmem>>
        %dma_start3A_350 = tpu.memref_squeeze %dma_start3A_349 : memref<1x4096xi32, #tpu.memory_space<vmem>> -> memref<4096xi32, #tpu.memory_space<vmem>>
        %dma_start3A_351 = arith.constant 12288 : i32
        %dma_start3A_352 = tpu.memref_slice %arg2[%rem3A_8, %dma_start3A_351] : memref<26x16384xi32, #tpu.memory_space<hbm>> -> memref<1x4096xi32, #tpu.memory_space<hbm>>
        %dma_start3A_353 = tpu.memref_squeeze %dma_start3A_352 : memref<1x4096xi32, #tpu.memory_space<hbm>> -> memref<4096xi32, #tpu.memory_space<hbm>>
        tpu.enqueue_dma source(%dma_start3A_353 : memref<4096xi32, #tpu.memory_space<hbm>>) target(%dma_start3A_350 : memref<4096xi32, #tpu.memory_space<vmem>>) target_semaphore(%arg11 : memref<!tpu.dma_semaphore, #tpu.memory_space<semaphore_mem>>)
      } else {
      }
      %dma_wait3A_173 = arith.constant 0 : i32
      %dma_wait3A_174 = arith.constant 0 : i32
      %dma_wait3A_175 = tpu.memref_slice %arg6[%dma_wait3A_173, %dma_wait3A_174] : memref<2x4096xi32, #tpu.memory_space<vmem>> -> memref<1x4096xi32, #tpu.memory_space<vmem>>
      %dma_wait3A_176 = tpu.memref_squeeze %dma_wait3A_175 : memref<1x4096xi32, #tpu.memory_space<vmem>> -> memref<4096xi32, #tpu.memory_space<vmem>>
      %dma_wait3A_177 = arith.constant 0 : i32
      %dma_wait3A_178 = tpu.memref_slice %arg2[%rem3A_8, %dma_wait3A_177] : memref<26x16384xi32, #tpu.memory_space<hbm>> -> memref<1x4096xi32, #tpu.memory_space<hbm>>
      %dma_wait3A_179 = tpu.memref_squeeze %dma_wait3A_178 : memref<1x4096xi32, #tpu.memory_space<hbm>> -> memref<4096xi32, #tpu.memory_space<hbm>>
      %dma_wait3A_180 = arith.constant 0 : i32
      %dma_wait3A_181 = tpu.memref_slice %arg6[%dma_wait3A_173, %dma_wait3A_180] : memref<2x4096xi32, #tpu.memory_space<vmem>> -> memref<1x4096xi32, #tpu.memory_space<vmem>>
      %dma_wait3A_182 = tpu.memref_squeeze %dma_wait3A_181 : memref<1x4096xi32, #tpu.memory_space<vmem>> -> memref<4096xi32, #tpu.memory_space<vmem>>
      %dma_wait3A_183 = arith.constant 0 : i32
      %dma_wait3A_184 = tpu.memref_slice %arg2[%rem3A_8, %dma_wait3A_183] : memref<26x16384xi32, #tpu.memory_space<hbm>> -> memref<1x4096xi32, #tpu.memory_space<hbm>>
      %dma_wait3A_185 = tpu.memref_squeeze %dma_wait3A_184 : memref<1x4096xi32, #tpu.memory_space<hbm>> -> memref<4096xi32, #tpu.memory_space<hbm>>
      tpu.wait_dma2 semaphore(%arg10 : memref<!tpu.dma_semaphore, #tpu.memory_space<semaphore_mem>>) src(%dma_wait3A_185 : memref<4096xi32, #tpu.memory_space<hbm>>) dst(%dma_wait3A_182 : memref<4096xi32, #tpu.memory_space<vmem>>)
      %dma_wait3A_186 = arith.constant 0 : i32
      %dma_wait3A_187 = arith.constant 0 : i32
      %dma_wait3A_188 = tpu.memref_slice %arg7[%dma_wait3A_186, %dma_wait3A_187] : memref<2x2048xf32, #tpu.memory_space<vmem>> -> memref<1x2048xf32, #tpu.memory_space<vmem>>
      %dma_wait3A_189 = tpu.memref_squeeze %dma_wait3A_188 : memref<1x2048xf32, #tpu.memory_space<vmem>> -> memref<2048xf32, #tpu.memory_space<vmem>>
      %dma_wait3A_190 = arith.constant 4096 : i32
      %dma_wait3A_191 = tpu.memref_slice %arg4[%add3A_27, %dma_wait3A_190] : memref<832x16384xf32, #tpu.memory_space<hbm>> -> memref<1x2048xf32, #tpu.memory_space<hbm>>
      %dma_wait3A_192 = tpu.memref_squeeze %dma_wait3A_191 : memref<1x2048xf32, #tpu.memory_space<hbm>> -> memref<2048xf32, #tpu.memory_space<hbm>>
      %dma_wait3A_193 = arith.constant 4096 : i32
      %dma_wait3A_194 = tpu.memref_slice %arg4[%add3A_27, %dma_wait3A_193] : memref<832x16384xf32, #tpu.memory_space<hbm>> -> memref<1x2048xf32, #tpu.memory_space<hbm>>
      %dma_wait3A_195 = tpu.memref_squeeze %dma_wait3A_194 : memref<1x2048xf32, #tpu.memory_space<hbm>> -> memref<2048xf32, #tpu.memory_space<hbm>>
      %dma_wait3A_196 = arith.constant 0 : i32
      %dma_wait3A_197 = tpu.memref_slice %arg7[%dma_wait3A_186, %dma_wait3A_196] : memref<2x2048xf32, #tpu.memory_space<vmem>> -> memref<1x2048xf32, #tpu.memory_space<vmem>>
      %dma_wait3A_198 = tpu.memref_squeeze %dma_wait3A_197 : memref<1x2048xf32, #tpu.memory_space<vmem>> -> memref<2048xf32, #tpu.memory_space<vmem>>
      tpu.wait_dma2 semaphore(%arg12 : memref<!tpu.dma_semaphore, #tpu.memory_space<semaphore_mem>>) src(%dma_wait3A_198 : memref<2048xf32, #tpu.memory_space<vmem>>) dst(%dma_wait3A_195 : memref<2048xf32, #tpu.memory_space<hbm>>)
      %parallel_loop3A_199 = arith.constant 0 : i32
      %parallel_loop3A_200 = arith.constant 128 : i32
      %parallel_loop3A_201 = arith.constant 1 : i32
      scf.for %parallel_loop3A_341 = %parallel_loop3A_199 to %parallel_loop3A_200 step %parallel_loop3A_201  : i32 {
        %parallel_loop3A_342 = arith.constant 16 : i32
        %parallel_loop3A_343 = arith.muli %parallel_loop3A_341, %parallel_loop3A_342 : i32
        %parallel_loop3A_344 = arith.constant 0 : i32
        %parallel_loop3A_345 = arith.addi %parallel_loop3A_344, %parallel_loop3A_343 : i32
        %parallel_loop3A_346 = arith.constant 0 : i32
        %parallel_loop3A_347 = arith.index_cast %parallel_loop3A_346 : i32 to index
        %parallel_loop3A_348 = arith.index_cast %parallel_loop3A_345 : i32 to index
        %parallel_loop3A_349 = tpu.vector_load %arg6[%parallel_loop3A_347, %parallel_loop3A_348] {strides = array<i32>} : memref<2x4096xi32, #tpu.memory_space<vmem>>, vector<16xi32>,
        %parallel_loop3A_350 = tpu.vector_load_idx %arg5[%parallel_loop3A_349] : memref<100001xf32, #tpu.memory_space<vmem>>[vector<16xi32>], vector<16xf32>,
        %parallel_loop3A_351 = arith.constant 16 : i32
        %parallel_loop3A_352 = arith.muli %parallel_loop3A_341, %parallel_loop3A_351 : i32
        %parallel_loop3A_353 = arith.constant 0 : i32
        %parallel_loop3A_354 = arith.index_cast %parallel_loop3A_353 : i32 to index
        %parallel_loop3A_355 = arith.index_cast %parallel_loop3A_352 : i32 to index
        %parallel_loop3A_356 = tpu.vector_load %arg7[%parallel_loop3A_354, %parallel_loop3A_355] {strides = array<i32>} : memref<2x2048xf32, #tpu.memory_space<vmem>>, vector<16xf32>,
        tpu.vector_store %arg7[%parallel_loop3A_354, %parallel_loop3A_355], %parallel_loop3A_350 {strides = array<i32>} : memref<2x2048xf32, #tpu.memory_space<vmem>>, vector<16xf32>,
      } {sc.loop_unroll_factor = 8 : i64, sc.parallel_access}
      %dma_start3A_202 = arith.constant 0 : i32
      %dma_start3A_203 = arith.constant 0 : i32
      %dma_start3A_204 = tpu.memref_slice %arg7[%dma_start3A_202, %dma_start3A_203] : memref<2x2048xf32, #tpu.memory_space<vmem>> -> memref<1x2048xf32, #tpu.memory_space<vmem>>
      %dma_start3A_205 = tpu.memref_squeeze %dma_start3A_204 : memref<1x2048xf32, #tpu.memory_space<vmem>> -> memref<2048xf32, #tpu.memory_space<vmem>>
      %dma_start3A_206 = arith.constant 8192 : i32
      %dma_start3A_207 = tpu.memref_slice %arg4[%add3A_27, %dma_start3A_206] : memref<832x16384xf32, #tpu.memory_space<hbm>> -> memref<1x2048xf32, #tpu.memory_space<hbm>>
      %dma_start3A_208 = tpu.memref_squeeze %dma_start3A_207 : memref<1x2048xf32, #tpu.memory_space<hbm>> -> memref<2048xf32, #tpu.memory_space<hbm>>
      %dma_start3A_209 = arith.constant 8192 : i32
      %dma_start3A_210 = tpu.memref_slice %arg4[%add3A_27, %dma_start3A_209] : memref<832x16384xf32, #tpu.memory_space<hbm>> -> memref<1x2048xf32, #tpu.memory_space<hbm>>
      %dma_start3A_211 = tpu.memref_squeeze %dma_start3A_210 : memref<1x2048xf32, #tpu.memory_space<hbm>> -> memref<2048xf32, #tpu.memory_space<hbm>>
      %dma_start3A_212 = arith.constant 0 : i32
      %dma_start3A_213 = tpu.memref_slice %arg7[%dma_start3A_202, %dma_start3A_212] : memref<2x2048xf32, #tpu.memory_space<vmem>> -> memref<1x2048xf32, #tpu.memory_space<vmem>>
      %dma_start3A_214 = tpu.memref_squeeze %dma_start3A_213 : memref<1x2048xf32, #tpu.memory_space<vmem>> -> memref<2048xf32, #tpu.memory_space<vmem>>
      tpu.enqueue_dma source(%dma_start3A_214 : memref<2048xf32, #tpu.memory_space<vmem>>) target(%dma_start3A_211 : memref<2048xf32, #tpu.memory_space<hbm>>) target_semaphore(%arg12 : memref<!tpu.dma_semaphore, #tpu.memory_space<semaphore_mem>>)
      %dma_wait3A_215 = arith.constant 1 : i32
      %dma_wait3A_216 = arith.constant 0 : i32
      %dma_wait3A_217 = tpu.memref_slice %arg7[%dma_wait3A_215, %dma_wait3A_216] : memref<2x2048xf32, #tpu.memory_space<vmem>> -> memref<1x2048xf32, #tpu.memory_space<vmem>>
      %dma_wait3A_218 = tpu.memref_squeeze %dma_wait3A_217 : memref<1x2048xf32, #tpu.memory_space<vmem>> -> memref<2048xf32, #tpu.memory_space<vmem>>
      %dma_wait3A_219 = arith.constant 6144 : i32
      %dma_wait3A_220 = tpu.memref_slice %arg4[%add3A_27, %dma_wait3A_219] : memref<832x16384xf32, #tpu.memory_space<hbm>> -> memref<1x2048xf32, #tpu.memory_space<hbm>>
      %dma_wait3A_221 = tpu.memref_squeeze %dma_wait3A_220 : memref<1x2048xf32, #tpu.memory_space<hbm>> -> memref<2048xf32, #tpu.memory_space<hbm>>
      %dma_wait3A_222 = arith.constant 6144 : i32
      %dma_wait3A_223 = tpu.memref_slice %arg4[%add3A_27, %dma_wait3A_222] : memref<832x16384xf32, #tpu.memory_space<hbm>> -> memref<1x2048xf32, #tpu.memory_space<hbm>>
      %dma_wait3A_224 = tpu.memref_squeeze %dma_wait3A_223 : memref<1x2048xf32, #tpu.memory_space<hbm>> -> memref<2048xf32, #tpu.memory_space<hbm>>
      %dma_wait3A_225 = arith.constant 0 : i32
      %dma_wait3A_226 = tpu.memref_slice %arg7[%dma_wait3A_215, %dma_wait3A_225] : memref<2x2048xf32, #tpu.memory_space<vmem>> -> memref<1x2048xf32, #tpu.memory_space<vmem>>
      %dma_wait3A_227 = tpu.memref_squeeze %dma_wait3A_226 : memref<1x2048xf32, #tpu.memory_space<vmem>> -> memref<2048xf32, #tpu.memory_space<vmem>>
      tpu.wait_dma2 semaphore(%arg13 : memref<!tpu.dma_semaphore, #tpu.memory_space<semaphore_mem>>) src(%dma_wait3A_227 : memref<2048xf32, #tpu.memory_space<vmem>>) dst(%dma_wait3A_224 : memref<2048xf32, #tpu.memory_space<hbm>>)
      %parallel_loop3A_228 = arith.constant 0 : i32
      %parallel_loop3A_229 = arith.constant 128 : i32
      %parallel_loop3A_230 = arith.constant 1 : i32
      scf.for %parallel_loop3A_341 = %parallel_loop3A_228 to %parallel_loop3A_229 step %parallel_loop3A_230  : i32 {
        %parallel_loop3A_342 = arith.constant 16 : i32
        %parallel_loop3A_343 = arith.muli %parallel_loop3A_341, %parallel_loop3A_342 : i32
        %parallel_loop3A_344 = arith.constant 2048 : i32
        %parallel_loop3A_345 = arith.addi %parallel_loop3A_344, %parallel_loop3A_343 : i32
        %parallel_loop3A_346 = arith.constant 0 : i32
        %parallel_loop3A_347 = arith.index_cast %parallel_loop3A_346 : i32 to index
        %parallel_loop3A_348 = arith.index_cast %parallel_loop3A_345 : i32 to index
        %parallel_loop3A_349 = tpu.vector_load %arg6[%parallel_loop3A_347, %parallel_loop3A_348] {strides = array<i32>} : memref<2x4096xi32, #tpu.memory_space<vmem>>, vector<16xi32>,
        %parallel_loop3A_350 = tpu.vector_load_idx %arg5[%parallel_loop3A_349] : memref<100001xf32, #tpu.memory_space<vmem>>[vector<16xi32>], vector<16xf32>,
        %parallel_loop3A_351 = arith.constant 16 : i32
        %parallel_loop3A_352 = arith.muli %parallel_loop3A_341, %parallel_loop3A_351 : i32
        %parallel_loop3A_353 = arith.constant 1 : i32
        %parallel_loop3A_354 = arith.index_cast %parallel_loop3A_353 : i32 to index
        %parallel_loop3A_355 = arith.index_cast %parallel_loop3A_352 : i32 to index
        %parallel_loop3A_356 = tpu.vector_load %arg7[%parallel_loop3A_354, %parallel_loop3A_355] {strides = array<i32>} : memref<2x2048xf32, #tpu.memory_space<vmem>>, vector<16xf32>,
        tpu.vector_store %arg7[%parallel_loop3A_354, %parallel_loop3A_355], %parallel_loop3A_350 {strides = array<i32>} : memref<2x2048xf32, #tpu.memory_space<vmem>>, vector<16xf32>,
      } {sc.loop_unroll_factor = 8 : i64, sc.parallel_access}
      %dma_start3A_231 = arith.constant 1 : i32
      %dma_start3A_232 = arith.constant 0 : i32
      %dma_start3A_233 = tpu.memref_slice %arg7[%dma_start3A_231, %dma_start3A_232] : memref<2x2048xf32, #tpu.memory_space<vmem>> -> memref<1x2048xf32, #tpu.memory_space<vmem>>
      %dma_start3A_234 = tpu.memref_squeeze %dma_start3A_233 : memref<1x2048xf32, #tpu.memory_space<vmem>> -> memref<2048xf32, #tpu.memory_space<vmem>>
      %dma_start3A_235 = arith.constant 10240 : i32
      %dma_start3A_236 = tpu.memref_slice %arg4[%add3A_27, %dma_start3A_235] : memref<832x16384xf32, #tpu.memory_space<hbm>> -> memref<1x2048xf32, #tpu.memory_space<hbm>>
      %dma_start3A_237 = tpu.memref_squeeze %dma_start3A_236 : memref<1x2048xf32, #tpu.memory_space<hbm>> -> memref<2048xf32, #tpu.memory_space<hbm>>
      %dma_start3A_238 = arith.constant 10240 : i32
      %dma_start3A_239 = tpu.memref_slice %arg4[%add3A_27, %dma_start3A_238] : memref<832x16384xf32, #tpu.memory_space<hbm>> -> memref<1x2048xf32, #tpu.memory_space<hbm>>
      %dma_start3A_240 = tpu.memref_squeeze %dma_start3A_239 : memref<1x2048xf32, #tpu.memory_space<hbm>> -> memref<2048xf32, #tpu.memory_space<hbm>>
      %dma_start3A_241 = arith.constant 0 : i32
      %dma_start3A_242 = tpu.memref_slice %arg7[%dma_start3A_231, %dma_start3A_241] : memref<2x2048xf32, #tpu.memory_space<vmem>> -> memref<1x2048xf32, #tpu.memory_space<vmem>>
      %dma_start3A_243 = tpu.memref_squeeze %dma_start3A_242 : memref<1x2048xf32, #tpu.memory_space<vmem>> -> memref<2048xf32, #tpu.memory_space<vmem>>
      tpu.enqueue_dma source(%dma_start3A_243 : memref<2048xf32, #tpu.memory_space<vmem>>) target(%dma_start3A_240 : memref<2048xf32, #tpu.memory_space<hbm>>) target_semaphore(%arg13 : memref<!tpu.dma_semaphore, #tpu.memory_space<semaphore_mem>>)
      %dma_wait3A_244 = arith.constant 1 : i32
      %dma_wait3A_245 = arith.constant 0 : i32
      %dma_wait3A_246 = tpu.memref_slice %arg6[%dma_wait3A_244, %dma_wait3A_245] : memref<2x4096xi32, #tpu.memory_space<vmem>> -> memref<1x4096xi32, #tpu.memory_space<vmem>>
      %dma_wait3A_247 = tpu.memref_squeeze %dma_wait3A_246 : memref<1x4096xi32, #tpu.memory_space<vmem>> -> memref<4096xi32, #tpu.memory_space<vmem>>
      %dma_wait3A_248 = arith.constant 0 : i32
      %dma_wait3A_249 = tpu.memref_slice %arg2[%rem3A_8, %dma_wait3A_248] : memref<26x16384xi32, #tpu.memory_space<hbm>> -> memref<1x4096xi32, #tpu.memory_space<hbm>>
      %dma_wait3A_250 = tpu.memref_squeeze %dma_wait3A_249 : memref<1x4096xi32, #tpu.memory_space<hbm>> -> memref<4096xi32, #tpu.memory_space<hbm>>
      %dma_wait3A_251 = arith.constant 0 : i32
      %dma_wait3A_252 = tpu.memref_slice %arg6[%dma_wait3A_244, %dma_wait3A_251] : memref<2x4096xi32, #tpu.memory_space<vmem>> -> memref<1x4096xi32, #tpu.memory_space<vmem>>
      %dma_wait3A_253 = tpu.memref_squeeze %dma_wait3A_252 : memref<1x4096xi32, #tpu.memory_space<vmem>> -> memref<4096xi32, #tpu.memory_space<vmem>>
      %dma_wait3A_254 = arith.constant 0 : i32
      %dma_wait3A_255 = tpu.memref_slice %arg2[%rem3A_8, %dma_wait3A_254] : memref<26x16384xi32, #tpu.memory_space<hbm>> -> memref<1x4096xi32, #tpu.memory_space<hbm>>
      %dma_wait3A_256 = tpu.memref_squeeze %dma_wait3A_255 : memref<1x4096xi32, #tpu.memory_space<hbm>> -> memref<4096xi32, #tpu.memory_space<hbm>>
      tpu.wait_dma2 semaphore(%arg11 : memref<!tpu.dma_semaphore, #tpu.memory_space<semaphore_mem>>) src(%dma_wait3A_256 : memref<4096xi32, #tpu.memory_space<hbm>>) dst(%dma_wait3A_253 : memref<4096xi32, #tpu.memory_space<vmem>>)
      %dma_wait3A_257 = arith.constant 0 : i32
      %dma_wait3A_258 = arith.constant 0 : i32
      %dma_wait3A_259 = tpu.memref_slice %arg7[%dma_wait3A_257, %dma_wait3A_258] : memref<2x2048xf32, #tpu.memory_space<vmem>> -> memref<1x2048xf32, #tpu.memory_space<vmem>>
      %dma_wait3A_260 = tpu.memref_squeeze %dma_wait3A_259 : memref<1x2048xf32, #tpu.memory_space<vmem>> -> memref<2048xf32, #tpu.memory_space<vmem>>
      %dma_wait3A_261 = arith.constant 8192 : i32
      %dma_wait3A_262 = tpu.memref_slice %arg4[%add3A_27, %dma_wait3A_261] : memref<832x16384xf32, #tpu.memory_space<hbm>> -> memref<1x2048xf32, #tpu.memory_space<hbm>>
      %dma_wait3A_263 = tpu.memref_squeeze %dma_wait3A_262 : memref<1x2048xf32, #tpu.memory_space<hbm>> -> memref<2048xf32, #tpu.memory_space<hbm>>
      %dma_wait3A_264 = arith.constant 8192 : i32
      %dma_wait3A_265 = tpu.memref_slice %arg4[%add3A_27, %dma_wait3A_264] : memref<832x16384xf32, #tpu.memory_space<hbm>> -> memref<1x2048xf32, #tpu.memory_space<hbm>>
      %dma_wait3A_266 = tpu.memref_squeeze %dma_wait3A_265 : memref<1x2048xf32, #tpu.memory_space<hbm>> -> memref<2048xf32, #tpu.memory_space<hbm>>
      %dma_wait3A_267 = arith.constant 0 : i32
      %dma_wait3A_268 = tpu.memref_slice %arg7[%dma_wait3A_257, %dma_wait3A_267] : memref<2x2048xf32, #tpu.memory_space<vmem>> -> memref<1x2048xf32, #tpu.memory_space<vmem>>
      %dma_wait3A_269 = tpu.memref_squeeze %dma_wait3A_268 : memref<1x2048xf32, #tpu.memory_space<vmem>> -> memref<2048xf32, #tpu.memory_space<vmem>>
      tpu.wait_dma2 semaphore(%arg12 : memref<!tpu.dma_semaphore, #tpu.memory_space<semaphore_mem>>) src(%dma_wait3A_269 : memref<2048xf32, #tpu.memory_space<vmem>>) dst(%dma_wait3A_266 : memref<2048xf32, #tpu.memory_space<hbm>>)
      %parallel_loop3A_270 = arith.constant 0 : i32
      %parallel_loop3A_271 = arith.constant 128 : i32
      %parallel_loop3A_272 = arith.constant 1 : i32
      scf.for %parallel_loop3A_341 = %parallel_loop3A_270 to %parallel_loop3A_271 step %parallel_loop3A_272  : i32 {
        %parallel_loop3A_342 = arith.constant 16 : i32
        %parallel_loop3A_343 = arith.muli %parallel_loop3A_341, %parallel_loop3A_342 : i32
        %parallel_loop3A_344 = arith.constant 0 : i32
        %parallel_loop3A_345 = arith.addi %parallel_loop3A_344, %parallel_loop3A_343 : i32
        %parallel_loop3A_346 = arith.constant 1 : i32
        %parallel_loop3A_347 = arith.index_cast %parallel_loop3A_346 : i32 to index
        %parallel_loop3A_348 = arith.index_cast %parallel_loop3A_345 : i32 to index
        %parallel_loop3A_349 = tpu.vector_load %arg6[%parallel_loop3A_347, %parallel_loop3A_348] {strides = array<i32>} : memref<2x4096xi32, #tpu.memory_space<vmem>>, vector<16xi32>,
        %parallel_loop3A_350 = tpu.vector_load_idx %arg5[%parallel_loop3A_349] : memref<100001xf32, #tpu.memory_space<vmem>>[vector<16xi32>], vector<16xf32>,
        %parallel_loop3A_351 = arith.constant 16 : i32
        %parallel_loop3A_352 = arith.muli %parallel_loop3A_341, %parallel_loop3A_351 : i32
        %parallel_loop3A_353 = arith.constant 0 : i32
        %parallel_loop3A_354 = arith.index_cast %parallel_loop3A_353 : i32 to index
        %parallel_loop3A_355 = arith.index_cast %parallel_loop3A_352 : i32 to index
        %parallel_loop3A_356 = tpu.vector_load %arg7[%parallel_loop3A_354, %parallel_loop3A_355] {strides = array<i32>} : memref<2x2048xf32, #tpu.memory_space<vmem>>, vector<16xf32>,
        tpu.vector_store %arg7[%parallel_loop3A_354, %parallel_loop3A_355], %parallel_loop3A_350 {strides = array<i32>} : memref<2x2048xf32, #tpu.memory_space<vmem>>, vector<16xf32>,
      } {sc.loop_unroll_factor = 8 : i64, sc.parallel_access}
      %dma_start3A_273 = arith.constant 0 : i32
      %dma_start3A_274 = arith.constant 0 : i32
      %dma_start3A_275 = tpu.memref_slice %arg7[%dma_start3A_273, %dma_start3A_274] : memref<2x2048xf32, #tpu.memory_space<vmem>> -> memref<1x2048xf32, #tpu.memory_space<vmem>>
      %dma_start3A_276 = tpu.memref_squeeze %dma_start3A_275 : memref<1x2048xf32, #tpu.memory_space<vmem>> -> memref<2048xf32, #tpu.memory_space<vmem>>
      %dma_start3A_277 = arith.constant 12288 : i32
      %dma_start3A_278 = tpu.memref_slice %arg4[%add3A_27, %dma_start3A_277] : memref<832x16384xf32, #tpu.memory_space<hbm>> -> memref<1x2048xf32, #tpu.memory_space<hbm>>
      %dma_start3A_279 = tpu.memref_squeeze %dma_start3A_278 : memref<1x2048xf32, #tpu.memory_space<hbm>> -> memref<2048xf32, #tpu.memory_space<hbm>>
      %dma_start3A_280 = arith.constant 12288 : i32
      %dma_start3A_281 = tpu.memref_slice %arg4[%add3A_27, %dma_start3A_280] : memref<832x16384xf32, #tpu.memory_space<hbm>> -> memref<1x2048xf32, #tpu.memory_space<hbm>>
      %dma_start3A_282 = tpu.memref_squeeze %dma_start3A_281 : memref<1x2048xf32, #tpu.memory_space<hbm>> -> memref<2048xf32, #tpu.memory_space<hbm>>
      %dma_start3A_283 = arith.constant 0 : i32
      %dma_start3A_284 = tpu.memref_slice %arg7[%dma_start3A_273, %dma_start3A_283] : memref<2x2048xf32, #tpu.memory_space<vmem>> -> memref<1x2048xf32, #tpu.memory_space<vmem>>
      %dma_start3A_285 = tpu.memref_squeeze %dma_start3A_284 : memref<1x2048xf32, #tpu.memory_space<vmem>> -> memref<2048xf32, #tpu.memory_space<vmem>>
      tpu.enqueue_dma source(%dma_start3A_285 : memref<2048xf32, #tpu.memory_space<vmem>>) target(%dma_start3A_282 : memref<2048xf32, #tpu.memory_space<hbm>>) target_semaphore(%arg12 : memref<!tpu.dma_semaphore, #tpu.memory_space<semaphore_mem>>)
      %dma_wait3A_286 = arith.constant 1 : i32
      %dma_wait3A_287 = arith.constant 0 : i32
      %dma_wait3A_288 = tpu.memref_slice %arg7[%dma_wait3A_286, %dma_wait3A_287] : memref<2x2048xf32, #tpu.memory_space<vmem>> -> memref<1x2048xf32, #tpu.memory_space<vmem>>
      %dma_wait3A_289 = tpu.memref_squeeze %dma_wait3A_288 : memref<1x2048xf32, #tpu.memory_space<vmem>> -> memref<2048xf32, #tpu.memory_space<vmem>>
      %dma_wait3A_290 = arith.constant 10240 : i32
      %dma_wait3A_291 = tpu.memref_slice %arg4[%add3A_27, %dma_wait3A_290] : memref<832x16384xf32, #tpu.memory_space<hbm>> -> memref<1x2048xf32, #tpu.memory_space<hbm>>
      %dma_wait3A_292 = tpu.memref_squeeze %dma_wait3A_291 : memref<1x2048xf32, #tpu.memory_space<hbm>> -> memref<2048xf32, #tpu.memory_space<hbm>>
      %dma_wait3A_293 = arith.constant 10240 : i32
      %dma_wait3A_294 = tpu.memref_slice %arg4[%add3A_27, %dma_wait3A_293] : memref<832x16384xf32, #tpu.memory_space<hbm>> -> memref<1x2048xf32, #tpu.memory_space<hbm>>
      %dma_wait3A_295 = tpu.memref_squeeze %dma_wait3A_294 : memref<1x2048xf32, #tpu.memory_space<hbm>> -> memref<2048xf32, #tpu.memory_space<hbm>>
      %dma_wait3A_296 = arith.constant 0 : i32
      %dma_wait3A_297 = tpu.memref_slice %arg7[%dma_wait3A_286, %dma_wait3A_296] : memref<2x2048xf32, #tpu.memory_space<vmem>> -> memref<1x2048xf32, #tpu.memory_space<vmem>>
      %dma_wait3A_298 = tpu.memref_squeeze %dma_wait3A_297 : memref<1x2048xf32, #tpu.memory_space<vmem>> -> memref<2048xf32, #tpu.memory_space<vmem>>
      tpu.wait_dma2 semaphore(%arg13 : memref<!tpu.dma_semaphore, #tpu.memory_space<semaphore_mem>>) src(%dma_wait3A_298 : memref<2048xf32, #tpu.memory_space<vmem>>) dst(%dma_wait3A_295 : memref<2048xf32, #tpu.memory_space<hbm>>)
      %parallel_loop3A_299 = arith.constant 0 : i32
      %parallel_loop3A_300 = arith.constant 128 : i32
      %parallel_loop3A_301 = arith.constant 1 : i32
      scf.for %parallel_loop3A_341 = %parallel_loop3A_299 to %parallel_loop3A_300 step %parallel_loop3A_301  : i32 {
        %parallel_loop3A_342 = arith.constant 16 : i32
        %parallel_loop3A_343 = arith.muli %parallel_loop3A_341, %parallel_loop3A_342 : i32
        %parallel_loop3A_344 = arith.constant 2048 : i32
        %parallel_loop3A_345 = arith.addi %parallel_loop3A_344, %parallel_loop3A_343 : i32
        %parallel_loop3A_346 = arith.constant 1 : i32
        %parallel_loop3A_347 = arith.index_cast %parallel_loop3A_346 : i32 to index
        %parallel_loop3A_348 = arith.index_cast %parallel_loop3A_345 : i32 to index
        %parallel_loop3A_349 = tpu.vector_load %arg6[%parallel_loop3A_347, %parallel_loop3A_348] {strides = array<i32>} : memref<2x4096xi32, #tpu.memory_space<vmem>>, vector<16xi32>,
        %parallel_loop3A_350 = tpu.vector_load_idx %arg5[%parallel_loop3A_349] : memref<100001xf32, #tpu.memory_space<vmem>>[vector<16xi32>], vector<16xf32>,
        %parallel_loop3A_351 = arith.constant 16 : i32
        %parallel_loop3A_352 = arith.muli %parallel_loop3A_341, %parallel_loop3A_351 : i32
        %parallel_loop3A_353 = arith.constant 1 : i32
        %parallel_loop3A_354 = arith.index_cast %parallel_loop3A_353 : i32 to index
        %parallel_loop3A_355 = arith.index_cast %parallel_loop3A_352 : i32 to index
        %parallel_loop3A_356 = tpu.vector_load %arg7[%parallel_loop3A_354, %parallel_loop3A_355] {strides = array<i32>} : memref<2x2048xf32, #tpu.memory_space<vmem>>, vector<16xf32>,
        tpu.vector_store %arg7[%parallel_loop3A_354, %parallel_loop3A_355], %parallel_loop3A_350 {strides = array<i32>} : memref<2x2048xf32, #tpu.memory_space<vmem>>, vector<16xf32>,
      } {sc.loop_unroll_factor = 8 : i64, sc.parallel_access}
      %dma_start3A_302 = arith.constant 1 : i32
      %dma_start3A_303 = arith.constant 0 : i32
      %dma_start3A_304 = tpu.memref_slice %arg7[%dma_start3A_302, %dma_start3A_303] : memref<2x2048xf32, #tpu.memory_space<vmem>> -> memref<1x2048xf32, #tpu.memory_space<vmem>>
      %dma_start3A_305 = tpu.memref_squeeze %dma_start3A_304 : memref<1x2048xf32, #tpu.memory_space<vmem>> -> memref<2048xf32, #tpu.memory_space<vmem>>
      %dma_start3A_306 = arith.constant 14336 : i32
      %dma_start3A_307 = tpu.memref_slice %arg4[%add3A_27, %dma_start3A_306] : memref<832x16384xf32, #tpu.memory_space<hbm>> -> memref<1x2048xf32, #tpu.memory_space<hbm>>
      %dma_start3A_308 = tpu.memref_squeeze %dma_start3A_307 : memref<1x2048xf32, #tpu.memory_space<hbm>> -> memref<2048xf32, #tpu.memory_space<hbm>>
      %dma_start3A_309 = arith.constant 14336 : i32
      %dma_start3A_310 = tpu.memref_slice %arg4[%add3A_27, %dma_start3A_309] : memref<832x16384xf32, #tpu.memory_space<hbm>> -> memref<1x2048xf32, #tpu.memory_space<hbm>>
      %dma_start3A_311 = tpu.memref_squeeze %dma_start3A_310 : memref<1x2048xf32, #tpu.memory_space<hbm>> -> memref<2048xf32, #tpu.memory_space<hbm>>
      %dma_start3A_312 = arith.constant 0 : i32
      %dma_start3A_313 = tpu.memref_slice %arg7[%dma_start3A_302, %dma_start3A_312] : memref<2x2048xf32, #tpu.memory_space<vmem>> -> memref<1x2048xf32, #tpu.memory_space<vmem>>
      %dma_start3A_314 = tpu.memref_squeeze %dma_start3A_313 : memref<1x2048xf32, #tpu.memory_space<vmem>> -> memref<2048xf32, #tpu.memory_space<vmem>>
      tpu.enqueue_dma source(%dma_start3A_314 : memref<2048xf32, #tpu.memory_space<vmem>>) target(%dma_start3A_311 : memref<2048xf32, #tpu.memory_space<hbm>>) target_semaphore(%arg13 : memref<!tpu.dma_semaphore, #tpu.memory_space<semaphore_mem>>)
      %dma_wait3A_315 = arith.constant 0 : i32
      %dma_wait3A_316 = arith.constant 0 : i32
      %dma_wait3A_317 = tpu.memref_slice %arg7[%dma_wait3A_315, %dma_wait3A_316] : memref<2x2048xf32, #tpu.memory_space<vmem>> -> memref<1x2048xf32, #tpu.memory_space<vmem>>
      %dma_wait3A_318 = tpu.memref_squeeze %dma_wait3A_317 : memref<1x2048xf32, #tpu.memory_space<vmem>> -> memref<2048xf32, #tpu.memory_space<vmem>>
      %dma_wait3A_319 = arith.constant 12288 : i32
      %dma_wait3A_320 = tpu.memref_slice %arg4[%add3A_27, %dma_wait3A_319] : memref<832x16384xf32, #tpu.memory_space<hbm>> -> memref<1x2048xf32, #tpu.memory_space<hbm>>
      %dma_wait3A_321 = tpu.memref_squeeze %dma_wait3A_320 : memref<1x2048xf32, #tpu.memory_space<hbm>> -> memref<2048xf32, #tpu.memory_space<hbm>>
      %dma_wait3A_322 = arith.constant 12288 : i32
      %dma_wait3A_323 = tpu.memref_slice %arg4[%add3A_27, %dma_wait3A_322] : memref<832x16384xf32, #tpu.memory_space<hbm>> -> memref<1x2048xf32, #tpu.memory_space<hbm>>
      %dma_wait3A_324 = tpu.memref_squeeze %dma_wait3A_323 : memref<1x2048xf32, #tpu.memory_space<hbm>> -> memref<2048xf32, #tpu.memory_space<hbm>>
      %dma_wait3A_325 = arith.constant 0 : i32
      %dma_wait3A_326 = tpu.memref_slice %arg7[%dma_wait3A_315, %dma_wait3A_325] : memref<2x2048xf32, #tpu.memory_space<vmem>> -> memref<1x2048xf32, #tpu.memory_space<vmem>>
      %dma_wait3A_327 = tpu.memref_squeeze %dma_wait3A_326 : memref<1x2048xf32, #tpu.memory_space<vmem>> -> memref<2048xf32, #tpu.memory_space<vmem>>
      tpu.wait_dma2 semaphore(%arg12 : memref<!tpu.dma_semaphore, #tpu.memory_space<semaphore_mem>>) src(%dma_wait3A_327 : memref<2048xf32, #tpu.memory_space<vmem>>) dst(%dma_wait3A_324 : memref<2048xf32, #tpu.memory_space<hbm>>)
      %dma_wait3A_328 = arith.constant 1 : i32
      %dma_wait3A_329 = arith.constant 0 : i32
      %dma_wait3A_330 = tpu.memref_slice %arg7[%dma_wait3A_328, %dma_wait3A_329] : memref<2x2048xf32, #tpu.memory_space<vmem>> -> memref<1x2048xf32, #tpu.memory_space<vmem>>
      %dma_wait3A_331 = tpu.memref_squeeze %dma_wait3A_330 : memref<1x2048xf32, #tpu.memory_space<vmem>> -> memref<2048xf32, #tpu.memory_space<vmem>>
      %dma_wait3A_332 = arith.constant 14336 : i32
      %dma_wait3A_333 = tpu.memref_slice %arg4[%add3A_27, %dma_wait3A_332] : memref<832x16384xf32, #tpu.memory_space<hbm>> -> memref<1x2048xf32, #tpu.memory_space<hbm>>
      %dma_wait3A_334 = tpu.memref_squeeze %dma_wait3A_333 : memref<1x2048xf32, #tpu.memory_space<hbm>> -> memref<2048xf32, #tpu.memory_space<hbm>>
      %dma_wait3A_335 = arith.constant 14336 : i32
      %dma_wait3A_336 = tpu.memref_slice %arg4[%add3A_27, %dma_wait3A_335] : memref<832x16384xf32, #tpu.memory_space<hbm>> -> memref<1x2048xf32, #tpu.memory_space<hbm>>
      %dma_wait3A_337 = tpu.memref_squeeze %dma_wait3A_336 : memref<1x2048xf32, #tpu.memory_space<hbm>> -> memref<2048xf32, #tpu.memory_space<hbm>>
      %dma_wait3A_338 = arith.constant 0 : i32
      %dma_wait3A_339 = tpu.memref_slice %arg7[%dma_wait3A_328, %dma_wait3A_338] : memref<2x2048xf32, #tpu.memory_space<vmem>> -> memref<1x2048xf32, #tpu.memory_space<vmem>>
      %dma_wait3A_340 = tpu.memref_squeeze %dma_wait3A_339 : memref<1x2048xf32, #tpu.memory_space<vmem>> -> memref<2048xf32, #tpu.memory_space<vmem>>
      tpu.wait_dma2 semaphore(%arg13 : memref<!tpu.dma_semaphore, #tpu.memory_space<semaphore_mem>>) src(%dma_wait3A_340 : memref<2048xf32, #tpu.memory_space<vmem>>) dst(%dma_wait3A_337 : memref<2048xf32, #tpu.memory_space<hbm>>)
    }
    %scan3A_5 = arith.constant 26 : i32
    return
  }
}

</mosaic_0001>

<sc_bundles>
// kernel: kernel.3.cloned.1.call-start
scs
__scs_entry_jumppad:
0x0: {  	(pc) =	sbr.rel $0x88, $3  }
0x1: {  	(tag) =	ssettag $0x0;
	lr =	simm.s32 $0x1  }
0x2: {  	[smem:$0x3F9F] =	sst lr;
	_ =	strace $0xD0000000  }
0x3: {  	_ = 	snop  }
0x4: {  	_ = 	snop  }
0x5: {  	_ = 	snop  }
0x6: {  	_ = 	snop  }
0x7: {  	_ = 	snop  }
__scs_overlays_trampoline_lowered:
0x8: {  	[smem:$0x3FAE] =	sst s0  }
0x9: {  	[smem:$0x3FAF] =	sst s1  }
0xa: {  	[smem:$0x3FB0] =	sst s2  }
0xb: {  	[smem:$0x3FB1] =	sst s3  }
0xc: {  	[smem:$0x3FB2] =	sst s4  }
0xd: {  	[smem:$0x3FB3] =	sst s5  }
0xe: {  	[smem:$0x3FB4] =	sst s6  }
0xf: {  	[smem:$0x3FB5] =	sst s7  }
0x10: {  	[smem:$0x3FB6] =	sst s8  }
0x11: {  	[smem:$0x3FB7] =	sst s9;
	s0 =	simm.s32 @!p0 $0x0  }
0x12: {  	s1 =	sld [smem:$0x3F9D];
	s0 =	simm.s32 @p0 $0x1  }
0x13: {  	[smem:$0x3FB8] =	sst s0;
	s0 =	simm.s32 @!p1 $0x0  }
0x14: {  	s2 =	sld [smem:$0x3F9C];
	s0 =	simm.s32 @p1 $0x1  }
0x15: {  	[smem:$0x3FB9] =	sst s0;
	s0 =	simm.s32 @!p2 $0x0  }
0x16: {  	s3 =	sld [smem:$0x3FDB];
	s0 =	simm.s32 @p2 $0x1  }
0x17: {  	s4 =	simm.s32 $0x1BF5;
	[smem:$0x3FBB] =	sst s0  }
0x18: {  	s0 =	sld [smem:$0x3F9E];
	_ =	swait.ge [sflag:s4], $0x0  }
0x19: {  	s7 =	sld [smem:$0x3F9F]  }
0x1a: {  	s8 =	sadd.s32 $0xFFFFE003, lr  }
0x1b: {  	s9 =	sadd.s32 $0xFFFFFEF7, lr;
	s5 =	simm.s32 $0xFFFFFFFF;
	p2 =	slt.u32 s8, $0xFFFFF086  }
0x1c: {  	p1 =	slt.u32 s9, $0xF7A;
	s5 =	simm.s32 @!p2 $0x0  }
0x1d: {  	s5 =	simm.s32 @p1 $0x1;
	p0 =	seq.s32 s7, s2  }
0x1e: {  	s7 =	smul.u32 @!p0 $0xF7A, s2;
	p2 =	seq.s32 @!p0 s5, $0x0  }
0x1f: {  	s9 =	smul.u32 $0xF7A, s1;
	s8 =	simm.s32 @!p0 $0x1BF5;
	p2 =	por !p2, p0  }
0x20: {  	[sflag:s8] =	ssyncset.s32 @!p0 $0xFFFFF086;
	s6 =	sadd.s32 @!p0 s3, s7;
	s7 =	simm.s32 @!p0 $0x108  }
0x21: {  	s3 =	sadd.s32 s3, s9;
	s6 =	sadd.s32 @!p0 $0x88, s6;
	s7 =	simm.s32 @p2 $0x1082  }
0x22: {  	[simem:s7], [sflag:s8] =	dma.local @!p0 [hbm:s6], $0xF7A  }
0x23: {  	s9 =	sor.u32 $0xD0000000, s2;
	s6 =	simm.s32 $0x108;
	_ =	swait.ge @!p0 [sflag:s8], $0x0  }
0x24: {  	s3 =	sadd.s32 $0x88, s3;
	s6 =	simm.s32 @!p1 $0x1082;
	[sflag:s4] =	ssyncset.s32 $0xFFFFF086  }
0x25: {  	[simem:s6], [sflag:s4] =	dma.local [hbm:s3], $0xF7A  }
0x26: {  	[smem:$0x3F9F] =	sst s1;
	(tag) =	ssettag s2;
	_ =	strace s9  }
0x27: {  	s1 =	sld [smem:$0x3FAF]  }
0x28: {  	s2 =	sld [smem:$0x3FB0]  }
0x29: {  	s4 =	sld [smem:$0x3FB2]  }
0x2a: {  	p0 =	seq.s32 s5, $0x0;
	s5 =	sld [smem:$0x3FB3]  }
0x2b: {  	s6 =	sld [smem:$0x3FB4]  }
0x2c: {  	s7 =	sld [smem:$0x3FB5]  }
0x2d: {  	s3 =	simm.s32 $0x108;
	s8 =	sld [smem:$0x3FB6]  }
0x2e: {  	s3 =	simm.s32 @!p0 $0x1082;
	s9 =	sld [smem:$0x3FB7]  }
0x2f: {  	lr =	sadd.s32 s0, s3;
	s0 =	sld [smem:$0x3FAE]  }
0x30: {  	s3 =	sld [smem:$0x3FB1]  }
0x31: {  	[smem:$0x3FBA] =	sst s10  }
0x32: {  	s10 =	sld [smem:$0x3FB8];
	_ =	sdelay $0x3  }
0x33: {  	p0 =	seq.s32 s10, $0x1;
	s10 =	sld [smem:$0x3FBA];
	_ =	sdelay $0x3  }
0x34: {  	[smem:$0x3FBA] =	sst s10  }
0x35: {  	s10 =	sld [smem:$0x3FB9];
	_ =	sdelay $0x3  }
0x36: {  	p1 =	seq.s32 s10, $0x1;
	s10 =	sld [smem:$0x3FBA];
	_ =	sdelay $0x3  }
0x37: {  	[smem:$0x3FBA] =	sst s10  }
0x38: {  	s10 =	sld [smem:$0x3FBB]  }
0x39: {  	_ = 	snop;
	(pc) =	sbr.ind lr, $3  }
0x3a: {  	_ = 	snop  }
0x3b: {  	_ = 	snop  }
0x3c: {  	p2 =	seq.s32 s10, $0x1;
	s10 =	sld [smem:$0x3FBA]  }
0x3d: {  	_ =	shalt  }
0x3e: {  	_ =	shalt  }
0x3f: {  	_ =	shalt  }
0x40: {  	_ =	shalt  }
0x41: {  	_ =	shalt  }
0x42: {  	_ =	shalt  }
0x43: {  	_ =	shalt  }
0x44: {  	_ =	shalt  }
0x45: {  	_ =	shalt  }
0x46: {  	_ =	shalt  }
0x47: {  	_ =	shalt  }
0x48: {  	_ =	shalt  }
0x49: {  	_ =	shalt  }
0x4a: {  	_ =	shalt  }
0x4b: {  	_ =	shalt  }
0x4c: {  	_ =	shalt  }
0x4d: {  	_ =	shalt  }
0x4e: {  	_ =	shalt  }
0x4f: {  	_ =	shalt  }
0x50: {  	_ =	shalt  }
0x51: {  	_ =	shalt  }
0x52: {  	_ =	shalt  }
0x53: {  	_ =	shalt  }
0x54: {  	_ =	shalt  }
0x55: {  	_ =	shalt  }
0x56: {  	_ =	shalt  }
0x57: {  	_ =	shalt  }
0x58: {  	_ =	shalt  }
0x59: {  	_ =	shalt  }
0x5a: {  	_ =	shalt  }
0x5b: {  	_ =	shalt  }
0x5c: {  	_ =	shalt  }
0x5d: {  	_ =	shalt  }
0x5e: {  	_ =	shalt  }
0x5f: {  	_ =	shalt  }
0x60: {  	_ =	shalt  }
0x61: {  	_ =	shalt  }
0x62: {  	_ =	shalt  }
0x63: {  	_ =	shalt  }
0x64: {  	_ =	shalt  }
0x65: {  	_ =	shalt  }
0x66: {  	_ =	shalt  }
0x67: {  	_ =	shalt  }
0x68: {  	_ =	shalt  }
0x69: {  	_ =	shalt  }
0x6a: {  	_ =	shalt  }
0x6b: {  	_ =	shalt  }
0x6c: {  	_ =	shalt  }
0x6d: {  	_ =	shalt  }
0x6e: {  	_ =	shalt  }
0x6f: {  	_ =	shalt  }
0x70: {  	_ =	shalt  }
0x71: {  	_ =	shalt  }
0x72: {  	_ =	shalt  }
0x73: {  	_ =	shalt  }
0x74: {  	_ =	shalt  }
0x75: {  	_ =	shalt  }
0x76: {  	_ =	shalt  }
0x77: {  	_ =	shalt  }
0x78: {  	_ =	shalt  }
0x79: {  	_ =	shalt  }
0x7a: {  	_ =	shalt  }
0x7b: {  	_ =	shalt  }
0x7c: {  	_ =	shalt  }
0x7d: {  	_ =	shalt  }
0x7e: {  	_ =	shalt  }
0x7f: {  	_ =	shalt  }
0x80: {  	_ =	shalt  }
0x81: {  	_ =	shalt  }
0x82: {  	_ =	shalt  }
0x83: {  	_ =	shalt  }
0x84: {  	_ =	shalt  }
0x85: {  	_ =	shalt  }
0x86: {  	_ =	shalt  }
0x87: {  	_ =	shalt  }
.Lfunc_end0:
.L_simem_size_0:
called_computation_lowered:
.L_overlay_start_0:
0x88: {  	s2 =	sld [smem:$0x3FD9]  }
0x89: {  	s3 =	sld [smem:$0x3FFE];
	_ =	sdelay $0x1  }
0x8a: {  	s1 =	srdreg.scid  }
0x8b: {  	s0 =	sand.u32 $0x1, s1  }
0x8c: {  	s18 =	sshll.u32 s0, $0xA;
	s2 =	sadd.s32 s3, s2  }
0x8d: {  	s2 =	sadd.s32 s2, s18  }
0x8e: {  	[smem:$0x3FC6] =	sst s2  }
0x8f: {  	_ = 	snop  }
0x90: {  	s2 =	sld [smem:$0x3FC9]  }
0x91: {  	s19 =	sld [smem:$0x3FC8]  }
0x92: {  	s4 =	sld [smem:$0x3FD0];
	(tm) =	ssettm $0x1  }
0x93: {  	s5 =	sld [smem:$0x3FFB];
	_ =	sdelay $0x3  }
0x94: {  	_ =	strace s5  }
0x95: {  	s5 =	sld [smem:$0x3FFC];
	_ =	sdelay $0x3  }
0x96: {  	_ =	strace s5  }
0x97: {  	s5 =	sld [smem:$0x3FFD];
	_ =	sdelay $0x3  }
0x98: {  	_ =	strace s5  }
0x99: {  	_ =	strace $0x8FFFFFFF  }
0x9a: {  	s20 =	sld [smem:$0x3FDB];
	_ =	sdelay $0x1  }
0x9b: {  	s6 =	simm.s32 $_scs_section_size  }
0x9c: {  	s7 =	simm.s32 $_size__tile_overlayer_lowered;
	s8 =	simm.s32 $_tile_overlayer_lowered  }
0x9d: {  	s23 =	simm.s32 $0x1BFF;
	s22 =	sshll.u32 s8, $0x1;
	s5 =	sadd.s32 s6, s20  }
0x9e: {  	s9 =	simm.s32 $0x0;
	s21 =	sshll.u32 s7, $0x1;
	s7 =	sadd.s32 s22, s5  }
0x9f: {  	[timem:s9], [sflag:s23] =	dma.local [hbm:s7], s21  }
0xa0: {  	_ =	swait.ge [sflag:s23], s21  }
0xa1: {  	s6 =	ssub.s32 $0x0, s21;
	[sflag:s23] =	ssyncset.done $0x0  }
0xa2: {  	[sflag:s23] =	ssyncadd.s32 s6;
	_ =	sdelay $0x1  }
0xa3: {  	s24 =	simm.s32 $0x1B8B  }
0xa4: {  	_ =	swait.ge [sflag:s24], $0x1  }
0xa5: {  	[sflag:s24] =	ssyncset.done $0x0  }
0xa6: {  	s25 =	simm.s32 $0x1B8E;
	[sflag:s24] =	ssyncadd.s32 $0xFFFFFFFF  }
0xa7: {  	s26 =	simm.s32 $execute0_lowered;
	[smem:$0x3FD2] =	sst s25  }
0xa8: {  	s6 =	sshll.u32 s26, $0x1;
	_ =	strace $0x80000046;
	[dreg:$0x1] =	wrdreg $0xFFFFFFFF  }
0xa9: {  	s28 =	simm.s32 $_size_execute0_lowered;
	s5 =	sadd.s32 s5, s6;
	[dreg:$0x0] =	wrdreg $0x0  }
0xaa: {  	s6 =	sshll.u32 s28, $0x1;
	[dreg:$0x2] =	wrdreg s5  }
0xab: {  	[dreg:$0x3] =	wrdreg s6  }
0xac: {  	[dreg:$0x4] =	wrdreg $0xC0  }
0xad: {  	_ =	task [dreg:s9], $0x5FFFF  }
0xae: {  	[dreg:$0x1] =	wrdreg $0xFFFFFFFF  }
0xaf: {  	[dreg:$0x0] =	wrdreg $0x60  }
0xb0: {  	[dreg:$0x2] =	wrdreg s2  }
0xb1: {  	[dreg:$0x3] =	wrdreg s19  }
0xb2: {  	[dreg:$0x4] =	wrdreg s4  }
0xb3: {  	[dreg:$0x5] =	wrdreg $0x1B7000  }
0xb4: {  	[dreg:$0x6] =	wrdreg $0x9  }
0xb5: {  	_ =	task.clear_ibuf [dreg:s9], $0x7FFFF;
	_ =	strace $0x90000046  }
0xb6: {  	s29 =	simm.s32 $0x9;
	_ =	strace $0x80000048  }
0xb7: {  	_ =	swait.ge [sflag:s29], $0x1  }
0xb8: {  	[sflag:s29] =	ssyncadd.s32 $0xFFFFFFFF  }
0xb9: {  	_ =	strace $0x90000048  }
0xba: {  	_ =	sfence  }
0xbb: {  	s30 =	sld [smem:$0x0];
	_ =	sdelay $0x2  }
0xbc: {  	s31 =	sshll.u32 s1, $0xD;
	s1 =	sshrl.u32 s1, $0x2  }
0xbd: {  	s3 =	sand.u32 $0x4000, s31;
	s1 =	sadd.s32 s1, s30  }
0xbe: {  	s0 =	sor.u32 s3, s0;
	s1 =	sshll.u32 s1, $0x11  }
0xbf: {  	s0 =	sor.u32 s1, s0  }
0xc0: {  	s0 =	sadd.s32 $0x8F2B, s0  }
0xc1: {  	[sflag:s0] =	ssyncadd.remote.s32 $0x1  }
0xc2: {  	_ =	sfence.sel $0xFFFF  }
0xc3: {  	[dreg:$0x0] =	wrdreg $0xFFFFFFFF;
	(pc) =	sbr.abs _section_cstart, $3  }
0xc4: {  	[dreg:$0x1] =	wrdreg $0xFFFFFFFF  }
0xc5: {  	_ =	task.clear_ibuf [dreg:s9], $0x2FFFF;
	_ =	strace $0x9FFFFFFF  }
0xc6: {  	(tm) =	ssettm $0x7FFFFFFF  }
0xc7: {  	_ =	shalt  }
tec
execute0_lowered:
.L_overlay_start_1:
0x0: {  	(tag) =	ssettag $0x1  }
0x1: {  	s7 =	rddreg [dreg:$0x0]  }
0x2: {  	s25 =	rddreg [dreg:$0x2]  }
0x3: {  	s6 =	rddreg [dreg:$0x3];
	s5 =	simm.s32 $0x0  }
0x4: {  	s0 =	srdreg.scid;
	s8 =	stileid.u32;
	s29 =	simm.s32 $0x2  }
0x5: {  	s30 =	simm.s32 $0x1B480;
	s31 =	simm.s32 $0x1B580;
	[smem:$0x7FF] =	sst s5  }
0x6: {  	s0 =	sand.u32 $0x1, s0;
	s3 =	sshll.u32 s8, $0xE;
	s14 =	sadd.s32 $0x1000, s7  }
0x7: {  	s16 =	sadd.s32 $0x800, s25;
	_ =	strace $0x80000047;
	[dreg:$0x9] =	wrdreg s14  }
0x8: {  	s4 =	sshll.u32 s8, $0x7;
	s17 =	sadd.s32 $0x2000, s7;
	[dreg:$0xb] =	wrdreg s16  }
0x9: {  	s24 =	sshll.u32 s8, $0x1;
	s18 =	sadd.s32 $0x1000, s25;
	[dreg:$0xc] =	wrdreg s17  }
0xa: {  	s11 =	sshll.u32 s8, $0x6;
	s19 =	sadd.s32 $0x1800, s25;
	[dreg:$0xd] =	wrdreg s18  }
0xb: {  	s20 =	sadd.s32 $0x3000, s7;
	s21 =	sadd.s32 $0x2000, s25;
	[dreg:$0xe] =	wrdreg s19  }
0xc: {  	s22 =	sadd.s32 $0x2800, s25;
	s23 =	sadd.s32 $0x3000, s25;
	[dreg:$0xf] =	wrdreg s20  }
0xd: {  	s1 =	ssub.s32 $0x2, s0;
	s3 =	sor.u32 s4, s3;
	[dreg:$0x10] =	wrdreg s21  }
0xe: {  	s9 =	sor.u32 s0, s24;
	s4 =	sshrl.u32 s8, $0x2;
	[dreg:$0x11] =	wrdreg s22  }
0xf: {  	s12 =	sor.u32 $0x1C06, s11;
	[dreg:$0x12] =	wrdreg s23;
	s18 =	simm.s32 $0x1A780  }
0x10: {  	s11 =	simm.s32 $0x1AA80;
	s14 =	simm.s32 $0x1AC80;
	s16 =	simm.s32 $0x1AD80  }
0x11: {  	s17 =	simm.s32 $0x1AE80;
	s19 =	simm.s32 $0x1AF80;
	s20 =	simm.s32 $0x1B080  }
0x12: {  	s21 =	simm.s32 $0x1B180;
	s8 =	simm.s32 $0x1B380;
	s2 =	sshrl.u32 s1, $0x1  }
0x13: {  	s26 =	sand.u32 $0x20380, s3;
	s10 =	sshll.u32 s9, $0x7;
	[dreg:$0x7] =	wrdreg s12  }
0x14: {  	[dreg:$0x5] =	wrdreg s9;
	s15 =	sshll.u32 s9, $0xE;
	s9 =	simm.s32 $0x4  }
0x15: {  	s1 =	ssub.s32 s1, s2;
	s3 =	sadd.s32 s26, s6;
	s2 =	smul.u32 $0xC3800, s4  }
0x16: {  	s0 =	sshrl.u32 s26, $0x3;
	s28 =	sand.u32 $0x380, s10;
	[dreg:$0xa] =	wrdreg s15  }
0x17: {  	s6 =	simm.s32 $0x3;
	s10 =	simm.s32 $0x5;
	s0 =	sadd.s32 s7, s0  }
0x18: {  	s24 =	smax.u32 s1, $0x1;
	s26 =	sshrl.u32 s3, $0x3;
	[dreg:$0x6] =	wrdreg s0  }
0x19: {  	s7 =	simm.s32 $0x1A980;
	s13 =	sor.u32 s28, s2;
	[dreg:$0x13] =	wrdreg s24  }
0x1a: {  	[dreg:$0x14] =	wrdreg s26;
	s24 =	simm.s32 $0x1B280;
	s0 =	simm.s32 $0x1B680  }
0x1b: {  	s2 =	simm.s32 $0x0;
	[dreg:$0x8] =	wrdreg s13;
	s13 =	simm.s32 $0x1AB80  }
.LBB2_1:
0x1c: {  	[dreg:$0x15] =	wrdreg s2  }
0x1d: {  	s1 =	rddreg [dreg:$0x6]  }
0x1e: {  	s23 =	rddreg [dreg:$0x7]  }
0x1f: {  	s3 =	rddreg [dreg:$0x14]  }
0x20: {  	s4 =	simm.s32 $0x1;
	s12 =	simm.s32 $0x80;
	s26 =	simm.s32 $0x6  }
0x21: {  	[spmem:s3@s12], [sflag:s23] =	dma.strided [hbm:s1@s12], $0x800, s4, $0x10   }
0x22: {  	_ =	swait.ge [sflag:s26], $0x800  }
0x23: {  	[sflag:s26] =	ssyncset.done $0x0  }
0x24: {  	[sflag:s26] =	ssyncadd.s32 $0xFFFFF800  }
0x25: {  	s22 =	simm.s32 $0x0;
	[bflag:$0x0] =	sbarrier.arrive $0xFFFF  }
.LBB2_2:
0x26: {  	s1 =	rddreg [dreg:$0x5]  }
0x27: {  	s1 =	sadd.s32 s1, s22  }
0x28: {  	s2 =	smulhi.u32 $0x4EC4EC4F, s1;
	_ =	sdelay $0x1  }
0x29: {  	s2 =	sshrl.u32 s2, $0x3  }
0x2a: {  	s2 =	smul.u32 $0x1A, s2;
	_ =	sdelay $0x1  }
0x2b: {  	s1 =	ssub.s32 s1, s2  }
0x2c: {  	s2 =	smul.u32 $0x30E000, s1;
	p0 =	slt.u32 s1, $0x10  }
.Ltmp0:
0x2d: {  	s3 =	rddreg [dreg:$0x8];
	(pc) =	sbr.rel @p0 .LBB2_37-.Ltmp0, $4  }
0x2e: {  	s2 =	sadd.s32 s3, s2  }
0x2f: {  	s4 =	rddreg [dreg:$0x1];
	s2 =	sshrl.u32 s2, $0x3  }
0x30: {  	s23 =	simm.s32 $0x80;
	s26 =	simm.s32 $0x400;
	s2 =	sadd.s32 s4, s2  }
0x31: {  	[tilespmem:s5], [sflag:$0x1] =	stream.strided.gather [hbm4b:s2+s23], $0x18700, s26, s23, $0x38;
	[tilespmem:$0x1F700] =	vst v63  }
0x32: {  	s2 =	sshll.u32 s1, $0x4  }
0x33: {  	s4 =	sshll.u32 s1, $0xB;
	s26 =	rddreg [dreg:$0x0];
	s2 =	sand.u32 $0x70, s2  }
0x34: {  	s12 =	sand.u32 $0xC000, s4;
	s4 =	sadd.s32 s26, s2  }
0x35: {  	s18 =	simm.s32 $0x18700;
	s15 =	sadd.s32 s12, s4  }
0x36: {  	s23 =	simm.s32 $0x80;
	s26 =	simm.s32 $0x18800;
	s25 =	sadd.s32 $0x0, s15  }
.LBB2_4:
0x37: {  	[tilespmem:s18], [sflag:$0x2] =	stream.linear.gather [hbm4b:s25+s5], $0x80, $0x38;
	[tilespmem:$0x1F700] =	vst v63  }
0x38: {  	s4 =	smov.u32 s23;
	s18 =	smov.u32 s26;
	p0 =	seq.s32 s23, $0xF80  }
.Ltmp1:
0x39: {  	s23 =	sadd.s32 $0x80, s23;
	(pc) =	sbr.rel @!p0 .LBB2_4-.Ltmp1, $2  }
0x3a: {  	_ =	sdelay $0x2  }
0x3b: {  	s26 =	sadd.s32 $0x100, s26;
	s25 =	sadd.s32 s4, s15  }
0x3c: {  	[tilespmem:s18], [sflag:$0x2] =	stream.linear.gather [hbm4b:s25+s5], $0x80, $0x38;
	[tilespmem:$0x1F700] =	vst v63  }
0x3d: {  	s3 =	simm.s32 $0x1  }
0x3e: {  	s2 =	sor.u32 s2, s12;
	_ =	swait.ge [sflag:s3], $0x18700  }
0x3f: {  	s12 =	simm.s32 $0x18780;
	[sflag:s3] =	ssyncset.done $0x0;
	s26 =	rddreg [dreg:$0x9]  }
0x40: {  	s15 =	simm.s32 $0x80;
	[sflag:s3] =	ssyncadd.s32 $0xFFFE7900;
	s2 =	sadd.s32 s2, s26  }
0x41: {  	s18 =	simm.s32 $0x18880;
	s23 =	sadd.s32 $0x0, s2;
	s25 =	rddreg [dreg:$0x2]  }
.LBB2_6:
0x42: {  	[tilespmem:s12], [sflag:$0x3] =	stream.linear.gather [hbm4b:s23+s5], $0x80, $0x38;
	[tilespmem:$0x1F700] =	vst v63  }
0x43: {  	s4 =	smov.u32 s15;
	s12 =	smov.u32 s18;
	p0 =	sne.s32 s15, $0xF80  }
.Ltmp2:
0x44: {  	s15 =	sadd.s32 $0x80, s15;
	(pc) =	sbr.rel @p0 .LBB2_6-.Ltmp2, $2  }
0x45: {  	_ =	sdelay $0x2  }
0x46: {  	s18 =	sadd.s32 $0x100, s18;
	s23 =	sadd.s32 s4, s2  }
.Ltmp3:
0x47: {  	(pc) =	sbr.rel .LBB2_8-.Ltmp3, $3  }
0x48: {  	_ =	sdelay $0x1  }
0x49: {  	[tilespmem:s12], [sflag:$0x3] =	stream.linear.gather [hbm4b:s23+s5], $0x80, $0x38;
	[tilespmem:$0x1F700] =	vst v63  }
0x4a: {  	s18 =	simm.s32 $0x1A780  }
.LBB2_37:
0x4b: {  	s2 =	sshll.u32 s1, $0xE  }
0x4c: {  	s4 =	sshll.u32 s1, $0x7;
	s12 =	rddreg [dreg:$0x3];
	s2 =	sand.u32 $0x20000, s2  }
0x4d: {  	s4 =	sand.u32 $0x380, s4;
	s2 =	sadd.s32 s2, s12  }
0x4e: {  	s3 =	simm.s32 $0x18700;
	s2 =	sadd.s32 s4, s2  }
0x4f: {  	[tilespmem:s3], [sflag:$0x2] =	stream.linear.gather [spmem:s2], $0x80, $0x38;
	[tilespmem:$0x1F700] =	vst v63  }
0x50: {  	s15 =	simm.s32 $0x18800;
	s4 =	sadd.s32 $0x400, s2  }
0x51: {  	[tilespmem:s15], [sflag:$0x2] =	stream.linear.gather [spmem:s4], $0x80, $0x38;
	[tilespmem:$0x1F700] =	vst v63  }
0x52: {  	s26 =	simm.s32 $0x18900;
	s23 =	sadd.s32 $0x800, s2  }
0x53: {  	[tilespmem:s26], [sflag:$0x2] =	stream.linear.gather [spmem:s23], $0x80, $0x38;
	[tilespmem:$0x1F700] =	vst v63  }
0x54: {  	s12 =	sadd.s32 $0xC00, s2;
	s15 =	simm.s32 $0x18A00  }
0x55: {  	[tilespmem:s15], [sflag:$0x2] =	stream.linear.gather [spmem:s12], $0x80, $0x38;
	[tilespmem:$0x1F700] =	vst v63  }
0x56: {  	s23 =	sadd.s32 $0x1000, s2;
	s26 =	simm.s32 $0x18B00  }
0x57: {  	[tilespmem:s26], [sflag:$0x2] =	stream.linear.gather [spmem:s23], $0x80, $0x38;
	[tilespmem:$0x1F700] =	vst v63  }
0x58: {  	s12 =	sadd.s32 $0x1400, s2;
	s15 =	simm.s32 $0x18C00  }
0x59: {  	[tilespmem:s15], [sflag:$0x2] =	stream.linear.gather [spmem:s12], $0x80, $0x38;
	[tilespmem:$0x1F700] =	vst v63  }
0x5a: {  	s23 =	sadd.s32 $0x1800, s2;
	s26 =	simm.s32 $0x18D00  }
0x5b: {  	[tilespmem:s26], [sflag:$0x2] =	stream.linear.gather [spmem:s23], $0x80, $0x38;
	[tilespmem:$0x1F700] =	vst v63  }
0x5c: {  	s12 =	sadd.s32 $0x1C00, s2;
	s15 =	simm.s32 $0x18E00  }
0x5d: {  	[tilespmem:s15], [sflag:$0x2] =	stream.linear.gather [spmem:s12], $0x80, $0x38;
	[tilespmem:$0x1F700] =	vst v63  }
0x5e: {  	s23 =	sadd.s32 $0x2000, s2;
	s26 =	simm.s32 $0x18F00  }
0x5f: {  	[tilespmem:s26], [sflag:$0x2] =	stream.linear.gather [spmem:s23], $0x80, $0x38;
	[tilespmem:$0x1F700] =	vst v63  }
0x60: {  	s12 =	sadd.s32 $0x2400, s2;
	s15 =	simm.s32 $0x19000  }
0x61: {  	[tilespmem:s15], [sflag:$0x2] =	stream.linear.gather [spmem:s12], $0x80, $0x38;
	[tilespmem:$0x1F700] =	vst v63  }
0x62: {  	s23 =	sadd.s32 $0x2800, s2;
	s26 =	simm.s32 $0x19100  }
0x63: {  	[tilespmem:s26], [sflag:$0x2] =	stream.linear.gather [spmem:s23], $0x80, $0x38;
	[tilespmem:$0x1F700] =	vst v63  }
0x64: {  	s12 =	sadd.s32 $0x2C00, s2;
	s15 =	simm.s32 $0x19200  }
0x65: {  	[tilespmem:s15], [sflag:$0x2] =	stream.linear.gather [spmem:s12], $0x80, $0x38;
	[tilespmem:$0x1F700] =	vst v63  }
0x66: {  	s23 =	sadd.s32 $0x3000, s2;
	s26 =	simm.s32 $0x19300  }
0x67: {  	[tilespmem:s26], [sflag:$0x2] =	stream.linear.gather [spmem:s23], $0x80, $0x38;
	[tilespmem:$0x1F700] =	vst v63  }
0x68: {  	s12 =	sadd.s32 $0x3400, s2;
	s15 =	simm.s32 $0x19400  }
0x69: {  	[tilespmem:s15], [sflag:$0x2] =	stream.linear.gather [spmem:s12], $0x80, $0x38;
	[tilespmem:$0x1F700] =	vst v63  }
0x6a: {  	s23 =	sadd.s32 $0x3800, s2;
	s26 =	simm.s32 $0x19500  }
0x6b: {  	[tilespmem:s26], [sflag:$0x2] =	stream.linear.gather [spmem:s23], $0x80, $0x38;
	[tilespmem:$0x1F700] =	vst v63  }
0x6c: {  	s12 =	sadd.s32 $0x3C00, s2;
	s15 =	simm.s32 $0x19600  }
0x6d: {  	[tilespmem:s15], [sflag:$0x2] =	stream.linear.gather [spmem:s12], $0x80, $0x38;
	[tilespmem:$0x1F700] =	vst v63  }
0x6e: {  	s23 =	sadd.s32 $0x4000, s2;
	s26 =	simm.s32 $0x19700  }
0x6f: {  	[tilespmem:s26], [sflag:$0x2] =	stream.linear.gather [spmem:s23], $0x80, $0x38;
	[tilespmem:$0x1F700] =	vst v63  }
0x70: {  	s12 =	sadd.s32 $0x4400, s2;
	s15 =	simm.s32 $0x19800  }
0x71: {  	[tilespmem:s15], [sflag:$0x2] =	stream.linear.gather [spmem:s12], $0x80, $0x38;
	[tilespmem:$0x1F700] =	vst v63  }
0x72: {  	s23 =	sadd.s32 $0x4800, s2;
	s26 =	simm.s32 $0x19900  }
0x73: {  	[tilespmem:s26], [sflag:$0x2] =	stream.linear.gather [spmem:s23], $0x80, $0x38;
	[tilespmem:$0x1F700] =	vst v63  }
0x74: {  	s12 =	sadd.s32 $0x4C00, s2;
	s15 =	simm.s32 $0x19A00  }
0x75: {  	[tilespmem:s15], [sflag:$0x2] =	stream.linear.gather [spmem:s12], $0x80, $0x38;
	[tilespmem:$0x1F700] =	vst v63  }
0x76: {  	s23 =	sadd.s32 $0x5000, s2;
	s26 =	simm.s32 $0x19B00  }
0x77: {  	[tilespmem:s26], [sflag:$0x2] =	stream.linear.gather [spmem:s23], $0x80, $0x38;
	[tilespmem:$0x1F700] =	vst v63  }
0x78: {  	s12 =	sadd.s32 $0x5400, s2;
	s15 =	simm.s32 $0x19C00  }
0x79: {  	[tilespmem:s15], [sflag:$0x2] =	stream.linear.gather [spmem:s12], $0x80, $0x38;
	[tilespmem:$0x1F700] =	vst v63  }
0x7a: {  	s23 =	sadd.s32 $0x5800, s2;
	s26 =	simm.s32 $0x19D00  }
0x7b: {  	[tilespmem:s26], [sflag:$0x2] =	stream.linear.gather [spmem:s23], $0x80, $0x38;
	[tilespmem:$0x1F700] =	vst v63  }
0x7c: {  	s12 =	sadd.s32 $0x5C00, s2;
	s15 =	simm.s32 $0x19E00  }
0x7d: {  	[tilespmem:s15], [sflag:$0x2] =	stream.linear.gather [spmem:s12], $0x80, $0x38;
	[tilespmem:$0x1F700] =	vst v63  }
0x7e: {  	s23 =	sadd.s32 $0x6000, s2;
	s26 =	simm.s32 $0x19F00  }
0x7f: {  	[tilespmem:s26], [sflag:$0x2] =	stream.linear.gather [spmem:s23], $0x80, $0x38;
	[tilespmem:$0x1F700] =	vst v63  }
0x80: {  	s12 =	sadd.s32 $0x6400, s2;
	s15 =	simm.s32 $0x1A000  }
0x81: {  	[tilespmem:s15], [sflag:$0x2] =	stream.linear.gather [spmem:s12], $0x80, $0x38;
	[tilespmem:$0x1F700] =	vst v63  }
0x82: {  	s23 =	sadd.s32 $0x6800, s2;
	s26 =	simm.s32 $0x1A100  }
0x83: {  	[tilespmem:s26], [sflag:$0x2] =	stream.linear.gather [spmem:s23], $0x80, $0x38;
	[tilespmem:$0x1F700] =	vst v63  }
0x84: {  	s12 =	sadd.s32 $0x6C00, s2;
	s15 =	simm.s32 $0x1A200  }
0x85: {  	[tilespmem:s15], [sflag:$0x2] =	stream.linear.gather [spmem:s12], $0x80, $0x38;
	[tilespmem:$0x1F700] =	vst v63  }
0x86: {  	s23 =	sadd.s32 $0x7000, s2;
	s26 =	simm.s32 $0x1A300  }
0x87: {  	[tilespmem:s26], [sflag:$0x2] =	stream.linear.gather [spmem:s23], $0x80, $0x38;
	[tilespmem:$0x1F700] =	vst v63  }
0x88: {  	s12 =	sadd.s32 $0x7400, s2;
	s15 =	simm.s32 $0x1A400  }
0x89: {  	[tilespmem:s15], [sflag:$0x2] =	stream.linear.gather [spmem:s12], $0x80, $0x38;
	[tilespmem:$0x1F700] =	vst v63  }
0x8a: {  	s23 =	sadd.s32 $0x7800, s2;
	s26 =	simm.s32 $0x1A500  }
0x8b: {  	[tilespmem:s26], [sflag:$0x2] =	stream.linear.gather [spmem:s23], $0x80, $0x38;
	[tilespmem:$0x1F700] =	vst v63  }
0x8c: {  	s3 =	sadd.s32 $0x7C00, s2;
	s12 =	simm.s32 $0x1A600;
	s15 =	simm.s32 $0x1  }
0x8d: {  	[tilespmem:s12], [sflag:$0x2] =	stream.linear.gather [spmem:s3], $0x80, $0x38;
	[tilespmem:$0x1F700] =	vst v63  }
0x8e: {  	_ =	swait.ge [sflag:s15], $0x18700  }
0x8f: {  	[sflag:s15] =	ssyncset.done $0x0  }
0x90: {  	s23 =	sadd.s32 $0x8000, s2;
	s26 =	simm.s32 $0x18780;
	[sflag:s15] =	ssyncadd.s32 $0xFFFE7900  }
0x91: {  	[tilespmem:s26], [sflag:$0x3] =	stream.linear.gather [spmem:s23], $0x80, $0x38;
	[tilespmem:$0x1F700] =	vst v63  }
0x92: {  	s12 =	sadd.s32 $0x8400, s2;
	s15 =	simm.s32 $0x18880  }
0x93: {  	[tilespmem:s15], [sflag:$0x3] =	stream.linear.gather [spmem:s12], $0x80, $0x38;
	[tilespmem:$0x1F700] =	vst v63  }
0x94: {  	s23 =	sadd.s32 $0x8800, s2;
	s26 =	simm.s32 $0x18980  }
0x95: {  	[tilespmem:s26], [sflag:$0x3] =	stream.linear.gather [spmem:s23], $0x80, $0x38;
	[tilespmem:$0x1F700] =	vst v63  }
0x96: {  	s12 =	sadd.s32 $0x8C00, s2;
	s15 =	simm.s32 $0x18A80  }
0x97: {  	[tilespmem:s15], [sflag:$0x3] =	stream.linear.gather [spmem:s12], $0x80, $0x38;
	[tilespmem:$0x1F700] =	vst v63  }
0x98: {  	s23 =	sadd.s32 $0x9000, s2;
	s26 =	simm.s32 $0x18B80  }
0x99: {  	[tilespmem:s26], [sflag:$0x3] =	stream.linear.gather [spmem:s23], $0x80, $0x38;
	[tilespmem:$0x1F700] =	vst v63  }
0x9a: {  	s12 =	sadd.s32 $0x9400, s2;
	s15 =	simm.s32 $0x18C80  }
0x9b: {  	[tilespmem:s15], [sflag:$0x3] =	stream.linear.gather [spmem:s12], $0x80, $0x38;
	[tilespmem:$0x1F700] =	vst v63  }
0x9c: {  	s23 =	sadd.s32 $0x9800, s2;
	s26 =	simm.s32 $0x18D80  }
0x9d: {  	[tilespmem:s26], [sflag:$0x3] =	stream.linear.gather [spmem:s23], $0x80, $0x38;
	[tilespmem:$0x1F700] =	vst v63  }
0x9e: {  	s12 =	sadd.s32 $0x9C00, s2;
	s15 =	simm.s32 $0x18E80  }
0x9f: {  	[tilespmem:s15], [sflag:$0x3] =	stream.linear.gather [spmem:s12], $0x80, $0x38;
	[tilespmem:$0x1F700] =	vst v63  }
0xa0: {  	s23 =	sadd.s32 $0xA000, s2;
	s26 =	simm.s32 $0x18F80  }
0xa1: {  	[tilespmem:s26], [sflag:$0x3] =	stream.linear.gather [spmem:s23], $0x80, $0x38;
	[tilespmem:$0x1F700] =	vst v63  }
0xa2: {  	s12 =	sadd.s32 $0xA400, s2;
	s15 =	simm.s32 $0x19080  }
0xa3: {  	[tilespmem:s15], [sflag:$0x3] =	stream.linear.gather [spmem:s12], $0x80, $0x38;
	[tilespmem:$0x1F700] =	vst v63  }
0xa4: {  	s23 =	sadd.s32 $0xA800, s2;
	s26 =	simm.s32 $0x19180  }
0xa5: {  	[tilespmem:s26], [sflag:$0x3] =	stream.linear.gather [spmem:s23], $0x80, $0x38;
	[tilespmem:$0x1F700] =	vst v63  }
0xa6: {  	s12 =	sadd.s32 $0xAC00, s2;
	s15 =	simm.s32 $0x19280  }
0xa7: {  	[tilespmem:s15], [sflag:$0x3] =	stream.linear.gather [spmem:s12], $0x80, $0x38;
	[tilespmem:$0x1F700] =	vst v63  }
0xa8: {  	s23 =	sadd.s32 $0xB000, s2;
	s26 =	simm.s32 $0x19380  }
0xa9: {  	[tilespmem:s26], [sflag:$0x3] =	stream.linear.gather [spmem:s23], $0x80, $0x38;
	[tilespmem:$0x1F700] =	vst v63  }
0xaa: {  	s12 =	sadd.s32 $0xB400, s2;
	s15 =	simm.s32 $0x19480  }
0xab: {  	[tilespmem:s15], [sflag:$0x3] =	stream.linear.gather [spmem:s12], $0x80, $0x38;
	[tilespmem:$0x1F700] =	vst v63  }
0xac: {  	s23 =	sadd.s32 $0xB800, s2;
	s26 =	simm.s32 $0x19580  }
0xad: {  	[tilespmem:s26], [sflag:$0x3] =	stream.linear.gather [spmem:s23], $0x80, $0x38;
	[tilespmem:$0x1F700] =	vst v63  }
0xae: {  	s12 =	sadd.s32 $0xBC00, s2;
	s15 =	simm.s32 $0x19680  }
0xaf: {  	[tilespmem:s15], [sflag:$0x3] =	stream.linear.gather [spmem:s12], $0x80, $0x38;
	[tilespmem:$0x1F700] =	vst v63  }
0xb0: {  	s23 =	sadd.s32 $0xC000, s2;
	s26 =	simm.s32 $0x19780  }
0xb1: {  	[tilespmem:s26], [sflag:$0x3] =	stream.linear.gather [spmem:s23], $0x80, $0x38;
	[tilespmem:$0x1F700] =	vst v63  }
0xb2: {  	s12 =	sadd.s32 $0xC400, s2;
	s15 =	simm.s32 $0x19880  }
0xb3: {  	[tilespmem:s15], [sflag:$0x3] =	stream.linear.gather [spmem:s12], $0x80, $0x38;
	[tilespmem:$0x1F700] =	vst v63  }
0xb4: {  	s23 =	sadd.s32 $0xC800, s2;
	s26 =	simm.s32 $0x19980  }
0xb5: {  	[tilespmem:s26], [sflag:$0x3] =	stream.linear.gather [spmem:s23], $0x80, $0x38;
	[tilespmem:$0x1F700] =	vst v63  }
0xb6: {  	s12 =	sadd.s32 $0xCC00, s2;
	s15 =	simm.s32 $0x19A80  }
0xb7: {  	[tilespmem:s15], [sflag:$0x3] =	stream.linear.gather [spmem:s12], $0x80, $0x38;
	[tilespmem:$0x1F700] =	vst v63  }
0xb8: {  	s23 =	sadd.s32 $0xD000, s2;
	s26 =	simm.s32 $0x19B80  }
0xb9: {  	[tilespmem:s26], [sflag:$0x3] =	stream.linear.gather [spmem:s23], $0x80, $0x38;
	[tilespmem:$0x1F700] =	vst v63  }
0xba: {  	s12 =	sadd.s32 $0xD400, s2;
	s15 =	simm.s32 $0x19C80  }
0xbb: {  	[tilespmem:s15], [sflag:$0x3] =	stream.linear.gather [spmem:s12], $0x80, $0x38;
	[tilespmem:$0x1F700] =	vst v63  }
0xbc: {  	s23 =	sadd.s32 $0xD800, s2;
	s26 =	simm.s32 $0x19D80  }
0xbd: {  	[tilespmem:s26], [sflag:$0x3] =	stream.linear.gather [spmem:s23], $0x80, $0x38;
	[tilespmem:$0x1F700] =	vst v63  }
0xbe: {  	s12 =	sadd.s32 $0xDC00, s2;
	s15 =	simm.s32 $0x19E80  }
0xbf: {  	[tilespmem:s15], [sflag:$0x3] =	stream.linear.gather [spmem:s12], $0x80, $0x38;
	[tilespmem:$0x1F700] =	vst v63  }
0xc0: {  	s23 =	sadd.s32 $0xE000, s2;
	s26 =	simm.s32 $0x19F80  }
0xc1: {  	[tilespmem:s26], [sflag:$0x3] =	stream.linear.gather [spmem:s23], $0x80, $0x38;
	[tilespmem:$0x1F700] =	vst v63  }
0xc2: {  	s12 =	sadd.s32 $0xE400, s2;
	s15 =	simm.s32 $0x1A080  }
0xc3: {  	[tilespmem:s15], [sflag:$0x3] =	stream.linear.gather [spmem:s12], $0x80, $0x38;
	[tilespmem:$0x1F700] =	vst v63  }
0xc4: {  	s23 =	sadd.s32 $0xE800, s2;
	s26 =	simm.s32 $0x1A180  }
0xc5: {  	[tilespmem:s26], [sflag:$0x3] =	stream.linear.gather [spmem:s23], $0x80, $0x38;
	[tilespmem:$0x1F700] =	vst v63  }
0xc6: {  	s12 =	sadd.s32 $0xEC00, s2;
	s15 =	simm.s32 $0x1A280  }
0xc7: {  	[tilespmem:s15], [sflag:$0x3] =	stream.linear.gather [spmem:s12], $0x80, $0x38;
	[tilespmem:$0x1F700] =	vst v63  }
0xc8: {  	s23 =	sadd.s32 $0xF000, s2;
	s26 =	simm.s32 $0x1A380  }
0xc9: {  	[tilespmem:s26], [sflag:$0x3] =	stream.linear.gather [spmem:s23], $0x80, $0x38;
	[tilespmem:$0x1F700] =	vst v63  }
0xca: {  	s3 =	sadd.s32 $0xF400, s2;
	s12 =	simm.s32 $0x1A480  }
0xcb: {  	[tilespmem:s12], [sflag:$0x3] =	stream.linear.gather [spmem:s3], $0x80, $0x38;
	[tilespmem:$0x1F700] =	vst v63  }
0xcc: {  	s15 =	sadd.s32 $0xF800, s2;
	s23 =	simm.s32 $0x1A580  }
0xcd: {  	[tilespmem:s23], [sflag:$0x3] =	stream.linear.gather [spmem:s15], $0x80, $0x38;
	[tilespmem:$0x1F700] =	vst v63  }
0xce: {  	s2 =	sadd.s32 $0xFC00, s2;
	s26 =	simm.s32 $0x1A680  }
0xcf: {  	[tilespmem:s26], [sflag:$0x3] =	stream.linear.gather [spmem:s2], $0x80, $0x38;
	[tilespmem:$0x1F700] =	vst v63  }
.LBB2_8:
0xd0: {  	_ =	swait.ge [sflag:s29], $0x1000  }
0xd1: {  	[sflag:s29] =	ssyncset.done $0x0  }
0xd2: {  	s2 =	simm.s32 $0x18740;
	[sflag:s29] =	ssyncadd.s32 $0xFFFFF000  }
0xd3: {  	v0 =	vld [tilespmem:s2+$0x30]  }
0xd4: {  	v1 =	vld [tilespmem:s2+$0xFFFFFFD0]  }
0xd5: {  	v2 =	vld [tilespmem:s2+$0xFFFFFFE0]  }
0xd6: {  	v3 =	vld [tilespmem:s2+$0xFFFFFFF0]  }
0xd7: {  	v6 =	vld [tilespmem:s2+$0x0]  }
0xd8: {  	v7 =	vld [tilespmem:s2+$0x10]  }
0xd9: {  	v8 =	vld [tilespmem:s2+$0x20]  }
0xda: {  	v9 =	vld [tilespmem:s2+$0xFFFFFFC0]  }
0xdb: {  	v10 =	vld.idx.msk [tilespmem:v0+s5+$0x0], $0xffff  }
0xdc: {  	v11 =	vld.idx.msk [tilespmem:v1+s5+$0x0], $0xffff  }
0xdd: {  	v5 =	vld.idx.msk [tilespmem:v2+s5+$0x0], $0xffff  }
0xde: {  	v4 =	vld.idx.msk [tilespmem:v3+s5+$0x0], $0xffff  }
0xdf: {  	v3 =	vld.idx.msk [tilespmem:v6+s5+$0x0], $0xffff  }
0xe0: {  	s2 =	simm.s32 $0x1A740;
	v1 =	vld.idx.msk [tilespmem:v7+s5+$0x0], $0xffff  }
0xe1: {  	v0 =	vld.idx.msk [tilespmem:v8+s5+$0x0], $0xffff;
	[tilespmem:s2+$0x30] =	vst v10  }
0xe2: {  	s12 =	simm.s32 $0x0;
	s15 =	simm.s32 $0x18840;
	v2 =	vld.idx.msk [tilespmem:v9+s5+$0x0], $0xffff;
	[tilespmem:s2+$0xFFFFFFD0] =	vst v11  }
.LBB2_9:
0xe3: {  	v6 =	vld [tilespmem:s15+$0x30];
	s12 =	sadd.s32 $0x8, s12;
	[tilespmem:s2+$0xFFFFFFE0] =	vst v5  }
0xe4: {  	v5 =	vld [tilespmem:s15+$0xFFFFFFD0];
	p0 =	slt.u32 s12, $0x78;
	[tilespmem:s2+$0xFFFFFFF0] =	vst v4  }
0xe5: {  	v4 =	vld [tilespmem:s15+$0xFFFFFFE0];
	[tilespmem:s2+$0x0] =	vst v3  }
0xe6: {  	v3 =	vld [tilespmem:s15+$0xFFFFFFF0];
	[tilespmem:s2+$0x10] =	vst v1  }
0xe7: {  	v1 =	vld [tilespmem:s15+$0x0];
	[tilespmem:s2+$0x20] =	vst v0  }
0xe8: {  	v0 =	vld [tilespmem:s15+$0x10];
	[tilespmem:s2+$0xFFFFFFC0] =	vst v2  }
0xe9: {  	v2 =	vld [tilespmem:s15+$0x20]  }
0xea: {  	v7 =	vld [tilespmem:s15+$0xFFFFFFC0]  }
0xeb: {  	v6 =	vld.idx.msk [tilespmem:v6+s5+$0x0], $0xffff  }
0xec: {  	v8 =	vld.idx.msk [tilespmem:v5+s5+$0x0], $0xffff  }
0xed: {  	v5 =	vld.idx.msk [tilespmem:v4+s5+$0x0], $0xffff  }
.Ltmp4:
0xee: {  	v4 =	vld.idx.msk [tilespmem:v3+s5+$0x0], $0xffff;
	(pc) =	sbr.rel @p0 .LBB2_9-.Ltmp4, $4  }
0xef: {  	v3 =	vld.idx.msk [tilespmem:v1+s5+$0x0], $0xffff  }
0xf0: {  	s2 =	sadd.s32 $0x100, s2;
	v1 =	vld.idx.msk [tilespmem:v0+s5+$0x0], $0xffff  }
0xf1: {  	v0 =	vld.idx.msk [tilespmem:v2+s5+$0x0], $0xffff;
	[tilespmem:s2+$0x30] =	vst v6  }
0xf2: {  	s15 =	sadd.s32 $0x100, s15;
	v2 =	vld.idx.msk [tilespmem:v7+s5+$0x0], $0xffff;
	[tilespmem:s2+$0xFFFFFFD0] =	vst v8  }
0xf3: {  	[tilespmem:s2+$0xFFFFFFE0] =	vst v5  }
0xf4: {  	[tilespmem:s2+$0xFFFFFFF0] =	vst v4  }
0xf5: {  	s4 =	sshll.u32 s1, $0x13;
	s3 =	rddreg [dreg:$0xa]  }
0xf6: {  	s23 =	sor.u32 s3, s4  }
0xf7: {  	[tilespmem:s2+$0x0] =	vst v3;
	s4 =	sand.u32 $0xFE0000, s23  }
0xf8: {  	[tilespmem:s2+$0x10] =	vst v1;
	s4 =	sor.u32 s28, s4  }
0xf9: {  	[tilespmem:s2+$0x20] =	vst v0;
	s26 =	sshrl.u32 s4, $0x3  }
0xfa: {  	[tilespmem:s2+$0xFFFFFFC0] =	vst v2;
	s4 =	simm.s32 $0x1A700;
	s2 =	sadd.s32 s25, s26  }
0xfb: {  	[hbm4b:s2+s5] =	stream.linear.scatter [tilespmem:s4], [sflag:$0x4], $0x80, $0x38;
	[tilespmem:$0x1F700] =	vst v63  }
0xfc: {  	s15 =	simm.s32 $0x1A800;
	s12 =	sadd.s32 $0x80, s2  }
0xfd: {  	[hbm4b:s12+s5] =	stream.linear.scatter [tilespmem:s15], [sflag:$0x4], $0x80, $0x38;
	[tilespmem:$0x1F700] =	vst v63  }
0xfe: {  	s12 =	sadd.s32 $0x100, s2;
	s15 =	simm.s32 $0x1A900  }
0xff: {  	[hbm4b:s12+s5] =	stream.linear.scatter [tilespmem:s15], [sflag:$0x4], $0x80, $0x38;
	[tilespmem:$0x1F700] =	vst v63  }
0x100: {  	s12 =	sadd.s32 $0x180, s2;
	s15 =	simm.s32 $0x1AA00  }
0x101: {  	[hbm4b:s12+s5] =	stream.linear.scatter [tilespmem:s15], [sflag:$0x4], $0x80, $0x38;
	[tilespmem:$0x1F700] =	vst v63  }
0x102: {  	s12 =	sadd.s32 $0x200, s2;
	s15 =	simm.s32 $0x1AB00  }
0x103: {  	[hbm4b:s12+s5] =	stream.linear.scatter [tilespmem:s15], [sflag:$0x4], $0x80, $0x38;
	[tilespmem:$0x1F700] =	vst v63  }
0x104: {  	s12 =	sadd.s32 $0x280, s2;
	s15 =	simm.s32 $0x1AC00  }
0x105: {  	[hbm4b:s12+s5] =	stream.linear.scatter [tilespmem:s15], [sflag:$0x4], $0x80, $0x38;
	[tilespmem:$0x1F700] =	vst v63  }
0x106: {  	s12 =	sadd.s32 $0x300, s2;
	s15 =	simm.s32 $0x1AD00  }
0x107: {  	[hbm4b:s12+s5] =	stream.linear.scatter [tilespmem:s15], [sflag:$0x4], $0x80, $0x38;
	[tilespmem:$0x1F700] =	vst v63  }
0x108: {  	s12 =	sadd.s32 $0x380, s2;
	s15 =	simm.s32 $0x1AE00  }
0x109: {  	[hbm4b:s12+s5] =	stream.linear.scatter [tilespmem:s15], [sflag:$0x4], $0x80, $0x38;
	[tilespmem:$0x1F700] =	vst v63  }
0x10a: {  	s12 =	sadd.s32 $0x400, s2;
	s15 =	simm.s32 $0x1AF00  }
0x10b: {  	[hbm4b:s12+s5] =	stream.linear.scatter [tilespmem:s15], [sflag:$0x4], $0x80, $0x38;
	[tilespmem:$0x1F700] =	vst v63  }
0x10c: {  	s12 =	sadd.s32 $0x480, s2;
	s15 =	simm.s32 $0x1B000  }
0x10d: {  	[hbm4b:s12+s5] =	stream.linear.scatter [tilespmem:s15], [sflag:$0x4], $0x80, $0x38;
	[tilespmem:$0x1F700] =	vst v63  }
0x10e: {  	s12 =	sadd.s32 $0x500, s2;
	s15 =	simm.s32 $0x1B100  }
0x10f: {  	[hbm4b:s12+s5] =	stream.linear.scatter [tilespmem:s15], [sflag:$0x4], $0x80, $0x38;
	[tilespmem:$0x1F700] =	vst v63  }
0x110: {  	s12 =	sadd.s32 $0x580, s2;
	s15 =	simm.s32 $0x1B200  }
0x111: {  	[hbm4b:s12+s5] =	stream.linear.scatter [tilespmem:s15], [sflag:$0x4], $0x80, $0x38;
	[tilespmem:$0x1F700] =	vst v63  }
0x112: {  	s12 =	sadd.s32 $0x600, s2;
	s15 =	simm.s32 $0x1B300  }
0x113: {  	[hbm4b:s12+s5] =	stream.linear.scatter [tilespmem:s15], [sflag:$0x4], $0x80, $0x38;
	[tilespmem:$0x1F700] =	vst v63  }
0x114: {  	s12 =	sadd.s32 $0x680, s2;
	s15 =	simm.s32 $0x1B400  }
0x115: {  	[hbm4b:s12+s5] =	stream.linear.scatter [tilespmem:s15], [sflag:$0x4], $0x80, $0x38;
	[tilespmem:$0x1F700] =	vst v63  }
0x116: {  	s12 =	sadd.s32 $0x700, s2;
	s15 =	simm.s32 $0x1B500  }
0x117: {  	[hbm4b:s12+s5] =	stream.linear.scatter [tilespmem:s15], [sflag:$0x4], $0x80, $0x38;
	[tilespmem:$0x1F700] =	vst v63  }
0x118: {  	s2 =	sadd.s32 $0x780, s2;
	s12 =	simm.s32 $0x1B600;
	s15 =	simm.s32 $0x19770  }
0x119: {  	[hbm4b:s2+s5] =	stream.linear.scatter [tilespmem:s12], [sflag:$0x4], $0x80, $0x38;
	[tilespmem:$0x1F700] =	vst v63  }
0x11a: {  	v0 =	vld [tilespmem:s15+$0x0]  }
0x11b: {  	v1 =	vld [tilespmem:s15+$0xFFFFFFA0]  }
0x11c: {  	v2 =	vld [tilespmem:s15+$0xFFFFFFB0]  }
0x11d: {  	v3 =	vld [tilespmem:s15+$0xFFFFFFC0]  }
0x11e: {  	v4 =	vld [tilespmem:s15+$0xFFFFFFD0]  }
0x11f: {  	v6 =	vld [tilespmem:s15+$0xFFFFFFE0]  }
0x120: {  	v7 =	vld [tilespmem:s15+$0xFFFFFFF0]  }
0x121: {  	v8 =	vld [tilespmem:s15+$0xFFFFFF90]  }
0x122: {  	v9 =	vld.idx.msk [tilespmem:v0+s5+$0x0], $0xffff  }
0x123: {  	v10 =	vld.idx.msk [tilespmem:v1+s5+$0x0], $0xffff  }
0x124: {  	v5 =	vld.idx.msk [tilespmem:v2+s5+$0x0], $0xffff  }
0x125: {  	v3 =	vld.idx.msk [tilespmem:v3+s5+$0x0], $0xffff  }
0x126: {  	v0 =	vld.idx.msk [tilespmem:v4+s5+$0x0], $0xffff  }
0x127: {  	s2 =	simm.s32 $0x1A7F0;
	v1 =	vld.idx.msk [tilespmem:v6+s5+$0x0], $0xffff  }
0x128: {  	v2 =	vld.idx.msk [tilespmem:v7+s5+$0x0], $0xffff;
	[tilespmem:s2+$0x0] =	vst v9  }
0x129: {  	s12 =	simm.s32 $0x0;
	s15 =	simm.s32 $0x19870;
	v4 =	vld.idx.msk [tilespmem:v8+s5+$0x0], $0xffff;
	[tilespmem:s2+$0xFFFFFFA0] =	vst v10  }
.LBB2_11:
0x12a: {  	v6 =	vld [tilespmem:s15+$0x0];
	s12 =	sadd.s32 $0x8, s12;
	[tilespmem:s2+$0xFFFFFFB0] =	vst v5  }
0x12b: {  	v5 =	vld [tilespmem:s15+$0xFFFFFFA0];
	p0 =	slt.u32 s12, $0x78;
	[tilespmem:s2+$0xFFFFFFC0] =	vst v3  }
0x12c: {  	v3 =	vld [tilespmem:s15+$0xFFFFFFB0];
	[tilespmem:s2+$0xFFFFFFD0] =	vst v0  }
0x12d: {  	v0 =	vld [tilespmem:s15+$0xFFFFFFC0];
	[tilespmem:s2+$0xFFFFFFE0] =	vst v1  }
0x12e: {  	v1 =	vld [tilespmem:s15+$0xFFFFFFD0];
	[tilespmem:s2+$0xFFFFFFF0] =	vst v2  }
0x12f: {  	v2 =	vld [tilespmem:s15+$0xFFFFFFE0];
	[tilespmem:s2+$0xFFFFFF90] =	vst v4  }
0x130: {  	v4 =	vld [tilespmem:s15+$0xFFFFFFF0]  }
0x131: {  	v7 =	vld [tilespmem:s15+$0xFFFFFF90]  }
0x132: {  	v6 =	vld.idx.msk [tilespmem:v6+s5+$0x0], $0xffff  }
0x133: {  	v8 =	vld.idx.msk [tilespmem:v5+s5+$0x0], $0xffff  }
0x134: {  	v5 =	vld.idx.msk [tilespmem:v3+s5+$0x0], $0xffff  }
.Ltmp5:
0x135: {  	v3 =	vld.idx.msk [tilespmem:v0+s5+$0x0], $0xffff;
	(pc) =	sbr.rel @p0 .LBB2_11-.Ltmp5, $4  }
0x136: {  	v0 =	vld.idx.msk [tilespmem:v1+s5+$0x0], $0xffff  }
0x137: {  	s2 =	sadd.s32 $0x100, s2;
	v1 =	vld.idx.msk [tilespmem:v2+s5+$0x0], $0xffff  }
0x138: {  	v2 =	vld.idx.msk [tilespmem:v4+s5+$0x0], $0xffff;
	[tilespmem:s2+$0x0] =	vst v6  }
0x139: {  	s15 =	sadd.s32 $0x100, s15;
	v4 =	vld.idx.msk [tilespmem:v7+s5+$0x0], $0xffff;
	[tilespmem:s2+$0xFFFFFFA0] =	vst v8  }
0x13a: {  	[tilespmem:s2+$0xFFFFFFB0] =	vst v5  }
0x13b: {  	[tilespmem:s2+$0xFFFFFFC0] =	vst v3  }
0x13c: {  	[tilespmem:s2+$0xFFFFFFD0] =	vst v0  }
0x13d: {  	[tilespmem:s2+$0xFFFFFFE0] =	vst v1  }
0x13e: {  	[tilespmem:s2+$0xFFFFFFF0] =	vst v2  }
0x13f: {  	[tilespmem:s2+$0xFFFFFF90] =	vst v4  }
0x140: {  	s2 =	rddreg [dreg:$0xb]  }
0x141: {  	s2 =	sadd.s32 s26, s2  }
0x142: {  	[hbm4b:s2+s5] =	stream.linear.scatter [tilespmem:s18], [sflag:$0x5], $0x80, $0x38;
	[tilespmem:$0x1F700] =	vst v63  }
0x143: {  	s12 =	simm.s32 $0x1A880;
	s4 =	sadd.s32 $0x80, s2  }
0x144: {  	[hbm4b:s4+s5] =	stream.linear.scatter [tilespmem:s12], [sflag:$0x5], $0x80, $0x38;
	[tilespmem:$0x1F700] =	vst v63  }
0x145: {  	s12 =	sadd.s32 $0x100, s2  }
0x146: {  	[hbm4b:s12+s5] =	stream.linear.scatter [tilespmem:s7], [sflag:$0x5], $0x80, $0x38;
	[tilespmem:$0x1F700] =	vst v63  }
0x147: {  	s15 =	sadd.s32 $0x180, s2  }
0x148: {  	[hbm4b:s15+s5] =	stream.linear.scatter [tilespmem:s11], [sflag:$0x5], $0x80, $0x38;
	[tilespmem:$0x1F700] =	vst v63  }
0x149: {  	s18 =	sadd.s32 $0x200, s2  }
0x14a: {  	[hbm4b:s18+s5] =	stream.linear.scatter [tilespmem:s13], [sflag:$0x5], $0x80, $0x38;
	[tilespmem:$0x1F700] =	vst v63  }
0x14b: {  	s3 =	smov.u32 s28;
	s28 =	sadd.s32 $0x280, s2  }
0x14c: {  	[hbm4b:s28+s5] =	stream.linear.scatter [tilespmem:s14], [sflag:$0x5], $0x80, $0x38;
	[tilespmem:$0x1F700] =	vst v63  }
0x14d: {  	s12 =	sadd.s32 $0x300, s2  }
0x14e: {  	[hbm4b:s12+s5] =	stream.linear.scatter [tilespmem:s16], [sflag:$0x5], $0x80, $0x38;
	[tilespmem:$0x1F700] =	vst v63  }
0x14f: {  	s15 =	sadd.s32 $0x380, s2  }
0x150: {  	[hbm4b:s15+s5] =	stream.linear.scatter [tilespmem:s17], [sflag:$0x5], $0x80, $0x38;
	[tilespmem:$0x1F700] =	vst v63  }
0x151: {  	s18 =	sadd.s32 $0x400, s2  }
0x152: {  	[hbm4b:s18+s5] =	stream.linear.scatter [tilespmem:s19], [sflag:$0x5], $0x80, $0x38;
	[tilespmem:$0x1F700] =	vst v63  }
0x153: {  	s28 =	sadd.s32 $0x480, s2  }
0x154: {  	[hbm4b:s28+s5] =	stream.linear.scatter [tilespmem:s20], [sflag:$0x5], $0x80, $0x38;
	[tilespmem:$0x1F700] =	vst v63  }
0x155: {  	s12 =	sadd.s32 $0x500, s2  }
0x156: {  	[hbm4b:s12+s5] =	stream.linear.scatter [tilespmem:s21], [sflag:$0x5], $0x80, $0x38;
	[tilespmem:$0x1F700] =	vst v63  }
0x157: {  	s15 =	sadd.s32 $0x580, s2  }
0x158: {  	[hbm4b:s15+s5] =	stream.linear.scatter [tilespmem:s24], [sflag:$0x5], $0x80, $0x38;
	[tilespmem:$0x1F700] =	vst v63  }
0x159: {  	s18 =	sadd.s32 $0x600, s2  }
0x15a: {  	[hbm4b:s18+s5] =	stream.linear.scatter [tilespmem:s8], [sflag:$0x5], $0x80, $0x38;
	[tilespmem:$0x1F700] =	vst v63  }
0x15b: {  	s28 =	sadd.s32 $0x680, s2  }
0x15c: {  	[hbm4b:s28+s5] =	stream.linear.scatter [tilespmem:s30], [sflag:$0x5], $0x80, $0x38;
	[tilespmem:$0x1F700] =	vst v63  }
0x15d: {  	p0 =	sgt.u32 s1, $0xF;
	s12 =	sadd.s32 $0x700, s2;
	s2 =	sadd.s32 $0x780, s2  }
0x15e: {  	[hbm4b:s12+s5] =	stream.linear.scatter [tilespmem:s31], [sflag:$0x5], $0x80, $0x38;
	[tilespmem:$0x1F700] =	vst v63  }
.Ltmp6:
0x15f: {  	s15 =	sshll.u32 s1, $0xE;
	s18 =	sshll.u32 s1, $0x7;
	(pc) =	sbr.rel @!p0 .LBB2_13-.Ltmp6, $4  }
0x160: {  	[hbm4b:s2+s5] =	stream.linear.scatter [tilespmem:s0], [sflag:$0x5], $0x80, $0x38;
	[tilespmem:$0x1F700] =	vst v63  }
0x161: {  	s12 =	sand.u32 $0x380, s18;
	s2 =	sand.u32 $0x60000, s15  }
0x162: {  	s28 =	sor.u32 s12, s2  }
0x163: {  	s1 =	sshrl.u32 s28, $0x3  }
0x164: {  	s4 =	rddreg [dreg:$0xc]  }
0x165: {  	s18 =	simm.s32 $0x18700;
	s15 =	sadd.s32 s1, s4  }
0x166: {  	s28 =	simm.s32 $0x80;
	s25 =	simm.s32 $0x18800;
	s4 =	sadd.s32 $0x0, s15  }
.LBB2_15:
0x167: {  	[tilespmem:s18], [sflag:$0x2] =	stream.linear.gather [hbm4b:s4+s5], $0x80, $0x38;
	[tilespmem:$0x1F700] =	vst v63  }
0x168: {  	s4 =	smov.u32 s28;
	s18 =	smov.u32 s25;
	p1 =	sne.s32 s28, $0xF80  }
.Ltmp7:
0x169: {  	s28 =	sadd.s32 $0x80, s28;
	(pc) =	sbr.rel @p1 .LBB2_15-.Ltmp7, $2  }
0x16a: {  	_ =	sdelay $0x2  }
0x16b: {  	s25 =	sadd.s32 $0x100, s25;
	s4 =	sadd.s32 s4, s15  }
.Ltmp8:
0x16c: {  	(pc) =	sbr.rel .LBB2_17-.Ltmp8, $3  }
0x16d: {  	_ =	sdelay $0x1  }
0x16e: {  	[tilespmem:s18], [sflag:$0x2] =	stream.linear.gather [hbm4b:s4+s5], $0x80, $0x38;
	[tilespmem:$0x1F700] =	vst v63  }
0x16f: {  	s25 =	rddreg [dreg:$0x2]  }
.LBB2_13:
0x170: {  	s4 =	rddreg [dreg:$0x3]  }
0x171: {  	s4 =	sadd.s32 s2, s4  }
0x172: {  	s15 =	sadd.s32 s12, s4  }
0x173: {  	s18 =	simm.s32 $0x18700;
	s4 =	sadd.s32 $0x10000, s15  }
0x174: {  	[tilespmem:s18], [sflag:$0x2] =	stream.linear.gather [spmem:s4], $0x80, $0x38;
	[tilespmem:$0x1F700] =	vst v63  }
0x175: {  	s28 =	simm.s32 $0x18800;
	s18 =	sadd.s32 $0x10400, s15  }
0x176: {  	[tilespmem:s28], [sflag:$0x2] =	stream.linear.gather [spmem:s18], $0x80, $0x38;
	[tilespmem:$0x1F700] =	vst v63  }
0x177: {  	s18 =	sadd.s32 $0x10800, s15;
	s28 =	simm.s32 $0x18900  }
0x178: {  	[tilespmem:s28], [sflag:$0x2] =	stream.linear.gather [spmem:s18], $0x80, $0x38;
	[tilespmem:$0x1F700] =	vst v63  }
0x179: {  	s18 =	sadd.s32 $0x10C00, s15;
	s28 =	simm.s32 $0x18A00  }
0x17a: {  	[tilespmem:s28], [sflag:$0x2] =	stream.linear.gather [spmem:s18], $0x80, $0x38;
	[tilespmem:$0x1F700] =	vst v63  }
0x17b: {  	s18 =	sadd.s32 $0x11000, s15;
	s28 =	simm.s32 $0x18B00  }
0x17c: {  	[tilespmem:s28], [sflag:$0x2] =	stream.linear.gather [spmem:s18], $0x80, $0x38;
	[tilespmem:$0x1F700] =	vst v63  }
0x17d: {  	s18 =	sadd.s32 $0x11400, s15;
	s28 =	simm.s32 $0x18C00  }
0x17e: {  	[tilespmem:s28], [sflag:$0x2] =	stream.linear.gather [spmem:s18], $0x80, $0x38;
	[tilespmem:$0x1F700] =	vst v63  }
0x17f: {  	s18 =	sadd.s32 $0x11800, s15;
	s28 =	simm.s32 $0x18D00  }
0x180: {  	[tilespmem:s28], [sflag:$0x2] =	stream.linear.gather [spmem:s18], $0x80, $0x38;
	[tilespmem:$0x1F700] =	vst v63  }
0x181: {  	s18 =	sadd.s32 $0x11C00, s15;
	s28 =	simm.s32 $0x18E00  }
0x182: {  	[tilespmem:s28], [sflag:$0x2] =	stream.linear.gather [spmem:s18], $0x80, $0x38;
	[tilespmem:$0x1F700] =	vst v63  }
0x183: {  	s18 =	sadd.s32 $0x12000, s15;
	s28 =	simm.s32 $0x18F00  }
0x184: {  	[tilespmem:s28], [sflag:$0x2] =	stream.linear.gather [spmem:s18], $0x80, $0x38;
	[tilespmem:$0x1F700] =	vst v63  }
0x185: {  	s18 =	sadd.s32 $0x12400, s15;
	s28 =	simm.s32 $0x19000  }
0x186: {  	[tilespmem:s28], [sflag:$0x2] =	stream.linear.gather [spmem:s18], $0x80, $0x38;
	[tilespmem:$0x1F700] =	vst v63  }
0x187: {  	s18 =	sadd.s32 $0x12800, s15;
	s28 =	simm.s32 $0x19100  }
0x188: {  	[tilespmem:s28], [sflag:$0x2] =	stream.linear.gather [spmem:s18], $0x80, $0x38;
	[tilespmem:$0x1F700] =	vst v63  }
0x189: {  	s18 =	sadd.s32 $0x12C00, s15;
	s28 =	simm.s32 $0x19200  }
0x18a: {  	[tilespmem:s28], [sflag:$0x2] =	stream.linear.gather [spmem:s18], $0x80, $0x38;
	[tilespmem:$0x1F700] =	vst v63  }
0x18b: {  	s18 =	sadd.s32 $0x13000, s15;
	s28 =	simm.s32 $0x19300  }
0x18c: {  	[tilespmem:s28], [sflag:$0x2] =	stream.linear.gather [spmem:s18], $0x80, $0x38;
	[tilespmem:$0x1F700] =	vst v63  }
0x18d: {  	s18 =	sadd.s32 $0x13400, s15;
	s28 =	simm.s32 $0x19400  }
0x18e: {  	[tilespmem:s28], [sflag:$0x2] =	stream.linear.gather [spmem:s18], $0x80, $0x38;
	[tilespmem:$0x1F700] =	vst v63  }
0x18f: {  	s18 =	sadd.s32 $0x13800, s15;
	s28 =	simm.s32 $0x19500  }
0x190: {  	[tilespmem:s28], [sflag:$0x2] =	stream.linear.gather [spmem:s18], $0x80, $0x38;
	[tilespmem:$0x1F700] =	vst v63  }
0x191: {  	s18 =	sadd.s32 $0x13C00, s15;
	s28 =	simm.s32 $0x19600  }
0x192: {  	[tilespmem:s28], [sflag:$0x2] =	stream.linear.gather [spmem:s18], $0x80, $0x38;
	[tilespmem:$0x1F700] =	vst v63  }
0x193: {  	s18 =	sadd.s32 $0x14000, s15;
	s28 =	simm.s32 $0x19700  }
0x194: {  	[tilespmem:s28], [sflag:$0x2] =	stream.linear.gather [spmem:s18], $0x80, $0x38;
	[tilespmem:$0x1F700] =	vst v63  }
0x195: {  	s18 =	sadd.s32 $0x14400, s15;
	s28 =	simm.s32 $0x19800  }
0x196: {  	[tilespmem:s28], [sflag:$0x2] =	stream.linear.gather [spmem:s18], $0x80, $0x38;
	[tilespmem:$0x1F700] =	vst v63  }
0x197: {  	s18 =	sadd.s32 $0x14800, s15;
	s28 =	simm.s32 $0x19900  }
0x198: {  	[tilespmem:s28], [sflag:$0x2] =	stream.linear.gather [spmem:s18], $0x80, $0x38;
	[tilespmem:$0x1F700] =	vst v63  }
0x199: {  	s18 =	sadd.s32 $0x14C00, s15;
	s28 =	simm.s32 $0x19A00  }
0x19a: {  	[tilespmem:s28], [sflag:$0x2] =	stream.linear.gather [spmem:s18], $0x80, $0x38;
	[tilespmem:$0x1F700] =	vst v63  }
0x19b: {  	s18 =	sadd.s32 $0x15000, s15;
	s28 =	simm.s32 $0x19B00  }
0x19c: {  	[tilespmem:s28], [sflag:$0x2] =	stream.linear.gather [spmem:s18], $0x80, $0x38;
	[tilespmem:$0x1F700] =	vst v63  }
0x19d: {  	s18 =	sadd.s32 $0x15400, s15;
	s28 =	simm.s32 $0x19C00  }
0x19e: {  	[tilespmem:s28], [sflag:$0x2] =	stream.linear.gather [spmem:s18], $0x80, $0x38;
	[tilespmem:$0x1F700] =	vst v63  }
0x19f: {  	s18 =	sadd.s32 $0x15800, s15;
	s28 =	simm.s32 $0x19D00  }
0x1a0: {  	[tilespmem:s28], [sflag:$0x2] =	stream.linear.gather [spmem:s18], $0x80, $0x38;
	[tilespmem:$0x1F700] =	vst v63  }
0x1a1: {  	s18 =	sadd.s32 $0x15C00, s15;
	s28 =	simm.s32 $0x19E00  }
0x1a2: {  	[tilespmem:s28], [sflag:$0x2] =	stream.linear.gather [spmem:s18], $0x80, $0x38;
	[tilespmem:$0x1F700] =	vst v63  }
0x1a3: {  	s18 =	sadd.s32 $0x16000, s15;
	s28 =	simm.s32 $0x19F00  }
0x1a4: {  	[tilespmem:s28], [sflag:$0x2] =	stream.linear.gather [spmem:s18], $0x80, $0x38;
	[tilespmem:$0x1F700] =	vst v63  }
0x1a5: {  	s18 =	sadd.s32 $0x16400, s15;
	s28 =	simm.s32 $0x1A000  }
0x1a6: {  	[tilespmem:s28], [sflag:$0x2] =	stream.linear.gather [spmem:s18], $0x80, $0x38;
	[tilespmem:$0x1F700] =	vst v63  }
0x1a7: {  	s18 =	sadd.s32 $0x16800, s15;
	s28 =	simm.s32 $0x1A100  }
0x1a8: {  	[tilespmem:s28], [sflag:$0x2] =	stream.linear.gather [spmem:s18], $0x80, $0x38;
	[tilespmem:$0x1F700] =	vst v63  }
0x1a9: {  	s18 =	sadd.s32 $0x16C00, s15;
	s28 =	simm.s32 $0x1A200  }
0x1aa: {  	[tilespmem:s28], [sflag:$0x2] =	stream.linear.gather [spmem:s18], $0x80, $0x38;
	[tilespmem:$0x1F700] =	vst v63  }
0x1ab: {  	s18 =	sadd.s32 $0x17000, s15;
	s28 =	simm.s32 $0x1A300  }
0x1ac: {  	[tilespmem:s28], [sflag:$0x2] =	stream.linear.gather [spmem:s18], $0x80, $0x38;
	[tilespmem:$0x1F700] =	vst v63  }
0x1ad: {  	s18 =	sadd.s32 $0x17400, s15;
	s28 =	simm.s32 $0x1A400  }
0x1ae: {  	[tilespmem:s28], [sflag:$0x2] =	stream.linear.gather [spmem:s18], $0x80, $0x38;
	[tilespmem:$0x1F700] =	vst v63  }
0x1af: {  	s18 =	sadd.s32 $0x17800, s15;
	s28 =	simm.s32 $0x1A500  }
0x1b0: {  	[tilespmem:s28], [sflag:$0x2] =	stream.linear.gather [spmem:s18], $0x80, $0x38;
	[tilespmem:$0x1F700] =	vst v63  }
0x1b1: {  	s18 =	sadd.s32 $0x17C00, s15;
	s28 =	simm.s32 $0x1A600  }
0x1b2: {  	[tilespmem:s28], [sflag:$0x2] =	stream.linear.gather [spmem:s18], $0x80, $0x38;
	[tilespmem:$0x1F700] =	vst v63  }
.LBB2_17:
0x1b3: {  	_ =	swait.ge [sflag:s6], $0x1000  }
0x1b4: {  	[sflag:s6] =	ssyncset.done $0x0  }
0x1b5: {  	[sflag:s6] =	ssyncadd.s32 $0xFFFFF000  }
0x1b6: {  	_ =	swait.ge [sflag:s9], $0x800  }
0x1b7: {  	[sflag:s9] =	ssyncset.done $0x0  }
0x1b8: {  	s4 =	simm.s32 $0x187F0;
	[sflag:s9] =	ssyncadd.s32 $0xFFFFF800  }
0x1b9: {  	v0 =	vld [tilespmem:s4+$0x0]  }
0x1ba: {  	v1 =	vld [tilespmem:s4+$0xFFFFFFA0]  }
0x1bb: {  	v2 =	vld [tilespmem:s4+$0xFFFFFFB0]  }
0x1bc: {  	v3 =	vld [tilespmem:s4+$0xFFFFFFC0]  }
0x1bd: {  	v4 =	vld [tilespmem:s4+$0xFFFFFFD0]  }
0x1be: {  	v6 =	vld [tilespmem:s4+$0xFFFFFFE0]  }
0x1bf: {  	v7 =	vld [tilespmem:s4+$0xFFFFFFF0]  }
0x1c0: {  	v8 =	vld [tilespmem:s4+$0xFFFFFF90]  }
0x1c1: {  	v9 =	vld.idx.msk [tilespmem:v0+s5+$0x0], $0xffff  }
0x1c2: {  	v10 =	vld.idx.msk [tilespmem:v1+s5+$0x0], $0xffff  }
0x1c3: {  	v5 =	vld.idx.msk [tilespmem:v2+s5+$0x0], $0xffff  }
0x1c4: {  	v3 =	vld.idx.msk [tilespmem:v3+s5+$0x0], $0xffff  }
0x1c5: {  	v0 =	vld.idx.msk [tilespmem:v4+s5+$0x0], $0xffff  }
0x1c6: {  	s15 =	simm.s32 $0x1A740;
	v1 =	vld.idx.msk [tilespmem:v6+s5+$0x0], $0xffff  }
0x1c7: {  	v2 =	vld.idx.msk [tilespmem:v7+s5+$0x0], $0xffff;
	[tilespmem:s15+$0x30] =	vst v9  }
0x1c8: {  	s18 =	simm.s32 $0x0;
	s28 =	simm.s32 $0x188F0;
	v4 =	vld.idx.msk [tilespmem:v8+s5+$0x0], $0xffff;
	[tilespmem:s15+$0xFFFFFFD0] =	vst v10  }
.LBB2_18:
0x1c9: {  	v6 =	vld [tilespmem:s28+$0x0];
	s18 =	sadd.s32 $0x8, s18;
	[tilespmem:s15+$0xFFFFFFE0] =	vst v5  }
0x1ca: {  	v5 =	vld [tilespmem:s28+$0xFFFFFFA0];
	p1 =	slt.u32 s18, $0x78;
	[tilespmem:s15+$0xFFFFFFF0] =	vst v3  }
0x1cb: {  	v3 =	vld [tilespmem:s28+$0xFFFFFFB0];
	[tilespmem:s15+$0x0] =	vst v0  }
0x1cc: {  	v0 =	vld [tilespmem:s28+$0xFFFFFFC0];
	[tilespmem:s15+$0x10] =	vst v1  }
0x1cd: {  	v1 =	vld [tilespmem:s28+$0xFFFFFFD0];
	[tilespmem:s15+$0x20] =	vst v2  }
0x1ce: {  	v2 =	vld [tilespmem:s28+$0xFFFFFFE0];
	[tilespmem:s15+$0xFFFFFFC0] =	vst v4  }
0x1cf: {  	v4 =	vld [tilespmem:s28+$0xFFFFFFF0]  }
0x1d0: {  	v7 =	vld [tilespmem:s28+$0xFFFFFF90]  }
0x1d1: {  	v6 =	vld.idx.msk [tilespmem:v6+s5+$0x0], $0xffff  }
0x1d2: {  	v8 =	vld.idx.msk [tilespmem:v5+s5+$0x0], $0xffff  }
0x1d3: {  	v5 =	vld.idx.msk [tilespmem:v3+s5+$0x0], $0xffff  }
.Ltmp9:
0x1d4: {  	v3 =	vld.idx.msk [tilespmem:v0+s5+$0x0], $0xffff;
	(pc) =	sbr.rel @p1 .LBB2_18-.Ltmp9, $4  }
0x1d5: {  	v0 =	vld.idx.msk [tilespmem:v1+s5+$0x0], $0xffff  }
0x1d6: {  	s15 =	sadd.s32 $0x100, s15;
	v1 =	vld.idx.msk [tilespmem:v2+s5+$0x0], $0xffff  }
0x1d7: {  	v2 =	vld.idx.msk [tilespmem:v4+s5+$0x0], $0xffff;
	[tilespmem:s15+$0x30] =	vst v6  }
0x1d8: {  	s28 =	sadd.s32 $0x100, s28;
	v4 =	vld.idx.msk [tilespmem:v7+s5+$0x0], $0xffff;
	[tilespmem:s15+$0xFFFFFFD0] =	vst v8  }
0x1d9: {  	[tilespmem:s15+$0xFFFFFFE0] =	vst v5  }
0x1da: {  	[tilespmem:s15+$0xFFFFFFF0] =	vst v3  }
0x1db: {  	[tilespmem:s15+$0x0] =	vst v0  }
0x1dc: {  	[tilespmem:s15+$0x10] =	vst v1  }
0x1dd: {  	[tilespmem:s15+$0x20] =	vst v2  }
0x1de: {  	[tilespmem:s15+$0xFFFFFFC0] =	vst v4  }
0x1df: {  	s4 =	rddreg [dreg:$0xd]  }
0x1e0: {  	s18 =	simm.s32 $0x1A700;
	s4 =	sadd.s32 s26, s4  }
0x1e1: {  	[hbm4b:s4+s5] =	stream.linear.scatter [tilespmem:s18], [sflag:$0x4], $0x80, $0x38;
	[tilespmem:$0x1F700] =	vst v63  }
0x1e2: {  	s15 =	sadd.s32 $0x80, s4;
	s18 =	simm.s32 $0x1A800  }
0x1e3: {  	[hbm4b:s15+s5] =	stream.linear.scatter [tilespmem:s18], [sflag:$0x4], $0x80, $0x38;
	[tilespmem:$0x1F700] =	vst v63  }
0x1e4: {  	s15 =	sadd.s32 $0x100, s4;
	s18 =	simm.s32 $0x1A900  }
0x1e5: {  	[hbm4b:s15+s5] =	stream.linear.scatter [tilespmem:s18], [sflag:$0x4], $0x80, $0x38;
	[tilespmem:$0x1F700] =	vst v63  }
0x1e6: {  	s15 =	sadd.s32 $0x180, s4;
	s18 =	simm.s32 $0x1AA00  }
0x1e7: {  	[hbm4b:s15+s5] =	stream.linear.scatter [tilespmem:s18], [sflag:$0x4], $0x80, $0x38;
	[tilespmem:$0x1F700] =	vst v63  }
0x1e8: {  	s15 =	sadd.s32 $0x200, s4;
	s18 =	simm.s32 $0x1AB00  }
0x1e9: {  	[hbm4b:s15+s5] =	stream.linear.scatter [tilespmem:s18], [sflag:$0x4], $0x80, $0x38;
	[tilespmem:$0x1F700] =	vst v63  }
0x1ea: {  	s15 =	sadd.s32 $0x280, s4;
	s18 =	simm.s32 $0x1AC00  }
0x1eb: {  	[hbm4b:s15+s5] =	stream.linear.scatter [tilespmem:s18], [sflag:$0x4], $0x80, $0x38;
	[tilespmem:$0x1F700] =	vst v63  }
0x1ec: {  	s15 =	sadd.s32 $0x300, s4;
	s18 =	simm.s32 $0x1AD00  }
0x1ed: {  	[hbm4b:s15+s5] =	stream.linear.scatter [tilespmem:s18], [sflag:$0x4], $0x80, $0x38;
	[tilespmem:$0x1F700] =	vst v63  }
0x1ee: {  	s15 =	sadd.s32 $0x380, s4;
	s18 =	simm.s32 $0x1AE00  }
0x1ef: {  	[hbm4b:s15+s5] =	stream.linear.scatter [tilespmem:s18], [sflag:$0x4], $0x80, $0x38;
	[tilespmem:$0x1F700] =	vst v63  }
0x1f0: {  	s15 =	sadd.s32 $0x400, s4;
	s18 =	simm.s32 $0x1AF00  }
0x1f1: {  	[hbm4b:s15+s5] =	stream.linear.scatter [tilespmem:s18], [sflag:$0x4], $0x80, $0x38;
	[tilespmem:$0x1F700] =	vst v63  }
0x1f2: {  	s15 =	sadd.s32 $0x480, s4;
	s18 =	simm.s32 $0x1B000  }
0x1f3: {  	[hbm4b:s15+s5] =	stream.linear.scatter [tilespmem:s18], [sflag:$0x4], $0x80, $0x38;
	[tilespmem:$0x1F700] =	vst v63  }
0x1f4: {  	s15 =	sadd.s32 $0x500, s4;
	s18 =	simm.s32 $0x1B100  }
0x1f5: {  	[hbm4b:s15+s5] =	stream.linear.scatter [tilespmem:s18], [sflag:$0x4], $0x80, $0x38;
	[tilespmem:$0x1F700] =	vst v63  }
0x1f6: {  	s15 =	sadd.s32 $0x580, s4;
	s18 =	simm.s32 $0x1B200  }
0x1f7: {  	[hbm4b:s15+s5] =	stream.linear.scatter [tilespmem:s18], [sflag:$0x4], $0x80, $0x38;
	[tilespmem:$0x1F700] =	vst v63  }
0x1f8: {  	s15 =	sadd.s32 $0x600, s4;
	s18 =	simm.s32 $0x1B300  }
0x1f9: {  	[hbm4b:s15+s5] =	stream.linear.scatter [tilespmem:s18], [sflag:$0x4], $0x80, $0x38;
	[tilespmem:$0x1F700] =	vst v63  }
0x1fa: {  	s15 =	sadd.s32 $0x680, s4;
	s18 =	simm.s32 $0x1B400  }
0x1fb: {  	[hbm4b:s15+s5] =	stream.linear.scatter [tilespmem:s18], [sflag:$0x4], $0x80, $0x38;
	[tilespmem:$0x1F700] =	vst v63  }
0x1fc: {  	s15 =	sadd.s32 $0x700, s4;
	s18 =	simm.s32 $0x1B500  }
0x1fd: {  	[hbm4b:s15+s5] =	stream.linear.scatter [tilespmem:s18], [sflag:$0x4], $0x80, $0x38;
	[tilespmem:$0x1F700] =	vst v63  }
0x1fe: {  	s4 =	sadd.s32 $0x780, s4;
	s18 =	simm.s32 $0x1B600  }
0x1ff: {  	[hbm4b:s4+s5] =	stream.linear.scatter [tilespmem:s18], [sflag:$0x4], $0x80, $0x38;
	[tilespmem:$0x1F700] =	vst v63  }
0x200: {  	_ =	swait.ge [sflag:s10], $0x800  }
0x201: {  	[sflag:s10] =	ssyncset.done $0x0  }
0x202: {  	s18 =	simm.s32 $0x197F0;
	[sflag:s10] =	ssyncadd.s32 $0xFFFFF800  }
0x203: {  	v0 =	vld [tilespmem:s18+$0x0]  }
0x204: {  	v1 =	vld [tilespmem:s18+$0xFFFFFFA0]  }
0x205: {  	v2 =	vld [tilespmem:s18+$0xFFFFFFB0]  }
0x206: {  	v3 =	vld [tilespmem:s18+$0xFFFFFFC0]  }
0x207: {  	v4 =	vld [tilespmem:s18+$0xFFFFFFD0]  }
0x208: {  	v6 =	vld [tilespmem:s18+$0xFFFFFFE0]  }
0x209: {  	v7 =	vld [tilespmem:s18+$0xFFFFFFF0]  }
0x20a: {  	v8 =	vld [tilespmem:s18+$0xFFFFFF90]  }
0x20b: {  	v9 =	vld.idx.msk [tilespmem:v0+s5+$0x0], $0xffff  }
0x20c: {  	v10 =	vld.idx.msk [tilespmem:v1+s5+$0x0], $0xffff  }
0x20d: {  	v5 =	vld.idx.msk [tilespmem:v2+s5+$0x0], $0xffff  }
0x20e: {  	v3 =	vld.idx.msk [tilespmem:v3+s5+$0x0], $0xffff  }
0x20f: {  	v0 =	vld.idx.msk [tilespmem:v4+s5+$0x0], $0xffff  }
0x210: {  	s15 =	simm.s32 $0x1A7F0;
	v1 =	vld.idx.msk [tilespmem:v6+s5+$0x0], $0xffff  }
0x211: {  	v2 =	vld.idx.msk [tilespmem:v7+s5+$0x0], $0xffff;
	[tilespmem:s15+$0x0] =	vst v9  }
0x212: {  	s28 =	simm.s32 $0x198F0;
	s18 =	simm.s32 $0x0;
	v4 =	vld.idx.msk [tilespmem:v8+s5+$0x0], $0xffff;
	[tilespmem:s15+$0xFFFFFFA0] =	vst v10  }
.LBB2_20:
0x213: {  	v6 =	vld [tilespmem:s28+$0x0];
	s18 =	sadd.s32 $0x8, s18;
	[tilespmem:s15+$0xFFFFFFB0] =	vst v5  }
0x214: {  	v5 =	vld [tilespmem:s28+$0xFFFFFFA0];
	p1 =	slt.u32 s18, $0x78;
	[tilespmem:s15+$0xFFFFFFC0] =	vst v3  }
0x215: {  	v3 =	vld [tilespmem:s28+$0xFFFFFFB0];
	[tilespmem:s15+$0xFFFFFFD0] =	vst v0  }
0x216: {  	v0 =	vld [tilespmem:s28+$0xFFFFFFC0];
	[tilespmem:s15+$0xFFFFFFE0] =	vst v1  }
0x217: {  	v1 =	vld [tilespmem:s28+$0xFFFFFFD0];
	[tilespmem:s15+$0xFFFFFFF0] =	vst v2  }
0x218: {  	v2 =	vld [tilespmem:s28+$0xFFFFFFE0];
	[tilespmem:s15+$0xFFFFFF90] =	vst v4  }
0x219: {  	v4 =	vld [tilespmem:s28+$0xFFFFFFF0]  }
0x21a: {  	v7 =	vld [tilespmem:s28+$0xFFFFFF90]  }
0x21b: {  	v6 =	vld.idx.msk [tilespmem:v6+s5+$0x0], $0xffff  }
0x21c: {  	v8 =	vld.idx.msk [tilespmem:v5+s5+$0x0], $0xffff  }
0x21d: {  	v5 =	vld.idx.msk [tilespmem:v3+s5+$0x0], $0xffff  }
.Ltmp10:
0x21e: {  	v3 =	vld.idx.msk [tilespmem:v0+s5+$0x0], $0xffff;
	(pc) =	sbr.rel @p1 .LBB2_20-.Ltmp10, $4  }
0x21f: {  	v0 =	vld.idx.msk [tilespmem:v1+s5+$0x0], $0xffff  }
0x220: {  	s15 =	sadd.s32 $0x100, s15;
	v1 =	vld.idx.msk [tilespmem:v2+s5+$0x0], $0xffff  }
0x221: {  	v2 =	vld.idx.msk [tilespmem:v4+s5+$0x0], $0xffff;
	[tilespmem:s15+$0x0] =	vst v6  }
0x222: {  	s28 =	sadd.s32 $0x100, s28;
	v4 =	vld.idx.msk [tilespmem:v7+s5+$0x0], $0xffff;
	[tilespmem:s15+$0xFFFFFFA0] =	vst v8  }
0x223: {  	[tilespmem:s15+$0xFFFFFFB0] =	vst v5  }
0x224: {  	[tilespmem:s15+$0xFFFFFFC0] =	vst v3  }
0x225: {  	[tilespmem:s15+$0xFFFFFFD0] =	vst v0  }
0x226: {  	[tilespmem:s15+$0xFFFFFFE0] =	vst v1  }
0x227: {  	[tilespmem:s15+$0xFFFFFFF0] =	vst v2  }
0x228: {  	[tilespmem:s15+$0xFFFFFF90] =	vst v4  }
0x229: {  	s4 =	rddreg [dreg:$0xe]  }
0x22a: {  	s18 =	simm.s32 $0x1A780;
	s4 =	sadd.s32 s26, s4  }
0x22b: {  	[hbm4b:s4+s5] =	stream.linear.scatter [tilespmem:s18], [sflag:$0x5], $0x80, $0x38;
	[tilespmem:$0x1F700] =	vst v63  }
0x22c: {  	s28 =	simm.s32 $0x1A880;
	s15 =	sadd.s32 $0x80, s4  }
0x22d: {  	[hbm4b:s15+s5] =	stream.linear.scatter [tilespmem:s28], [sflag:$0x5], $0x80, $0x38;
	[tilespmem:$0x1F700] =	vst v63  }
0x22e: {  	s28 =	sadd.s32 $0x100, s4  }
0x22f: {  	[hbm4b:s28+s5] =	stream.linear.scatter [tilespmem:s7], [sflag:$0x5], $0x80, $0x38;
	[tilespmem:$0x1F700] =	vst v63  }
0x230: {  	s28 =	sadd.s32 $0x180, s4  }
0x231: {  	[hbm4b:s28+s5] =	stream.linear.scatter [tilespmem:s11], [sflag:$0x5], $0x80, $0x38;
	[tilespmem:$0x1F700] =	vst v63  }
0x232: {  	s28 =	sadd.s32 $0x200, s4  }
0x233: {  	[hbm4b:s28+s5] =	stream.linear.scatter [tilespmem:s13], [sflag:$0x5], $0x80, $0x38;
	[tilespmem:$0x1F700] =	vst v63  }
0x234: {  	s28 =	sadd.s32 $0x280, s4  }
0x235: {  	[hbm4b:s28+s5] =	stream.linear.scatter [tilespmem:s14], [sflag:$0x5], $0x80, $0x38;
	[tilespmem:$0x1F700] =	vst v63  }
0x236: {  	s28 =	sadd.s32 $0x300, s4  }
0x237: {  	[hbm4b:s28+s5] =	stream.linear.scatter [tilespmem:s16], [sflag:$0x5], $0x80, $0x38;
	[tilespmem:$0x1F700] =	vst v63  }
0x238: {  	s28 =	sadd.s32 $0x380, s4  }
0x239: {  	[hbm4b:s28+s5] =	stream.linear.scatter [tilespmem:s17], [sflag:$0x5], $0x80, $0x38;
	[tilespmem:$0x1F700] =	vst v63  }
0x23a: {  	s28 =	sadd.s32 $0x400, s4  }
0x23b: {  	[hbm4b:s28+s5] =	stream.linear.scatter [tilespmem:s19], [sflag:$0x5], $0x80, $0x38;
	[tilespmem:$0x1F700] =	vst v63  }
0x23c: {  	s28 =	sadd.s32 $0x480, s4  }
0x23d: {  	[hbm4b:s28+s5] =	stream.linear.scatter [tilespmem:s20], [sflag:$0x5], $0x80, $0x38;
	[tilespmem:$0x1F700] =	vst v63  }
0x23e: {  	s28 =	sadd.s32 $0x500, s4  }
0x23f: {  	[hbm4b:s28+s5] =	stream.linear.scatter [tilespmem:s21], [sflag:$0x5], $0x80, $0x38;
	[tilespmem:$0x1F700] =	vst v63  }
0x240: {  	s28 =	sadd.s32 $0x580, s4  }
0x241: {  	[hbm4b:s28+s5] =	stream.linear.scatter [tilespmem:s24], [sflag:$0x5], $0x80, $0x38;
	[tilespmem:$0x1F700] =	vst v63  }
0x242: {  	s28 =	sadd.s32 $0x600, s4  }
0x243: {  	[hbm4b:s28+s5] =	stream.linear.scatter [tilespmem:s8], [sflag:$0x5], $0x80, $0x38;
	[tilespmem:$0x1F700] =	vst v63  }
0x244: {  	s28 =	sadd.s32 $0x680, s4  }
0x245: {  	[hbm4b:s28+s5] =	stream.linear.scatter [tilespmem:s30], [sflag:$0x5], $0x80, $0x38;
	[tilespmem:$0x1F700] =	vst v63  }
.Ltmp11:
0x246: {  	_ = 	snop;
	(pc) =	sbr.rel @!p0 .LBB2_22-.Ltmp11, $4  }
0x247: {  	s28 =	sadd.s32 $0x700, s4  }
0x248: {  	[hbm4b:s28+s5] =	stream.linear.scatter [tilespmem:s31], [sflag:$0x5], $0x80, $0x38;
	[tilespmem:$0x1F700] =	vst v63  }
0x249: {  	s4 =	sadd.s32 $0x780, s4  }
0x24a: {  	[hbm4b:s4+s5] =	stream.linear.scatter [tilespmem:s0], [sflag:$0x5], $0x80, $0x38;
	[tilespmem:$0x1F700] =	vst v63  }
0x24b: {  	s2 =	rddreg [dreg:$0xf]  }
0x24c: {  	s12 =	simm.s32 $0x80;
	s15 =	simm.s32 $0x18880;
	s1 =	sadd.s32 s1, s2  }
0x24d: {  	s28 =	smov.u32 s3;
	s2 =	simm.s32 $0x18780;
	s4 =	sadd.s32 $0x0, s1  }
.LBB2_24:
0x24e: {  	[tilespmem:s2], [sflag:$0x3] =	stream.linear.gather [hbm4b:s4+s5], $0x80, $0x38;
	[tilespmem:$0x1F700] =	vst v63  }
0x24f: {  	s4 =	smov.u32 s12;
	s2 =	smov.u32 s15;
	p0 =	sne.s32 s12, $0xF80  }
.Ltmp12:
0x250: {  	s12 =	sadd.s32 $0x80, s12;
	(pc) =	sbr.rel @p0 .LBB2_24-.Ltmp12, $2  }
0x251: {  	_ =	sdelay $0x2  }
0x252: {  	s15 =	sadd.s32 $0x100, s15;
	s4 =	sadd.s32 s4, s1  }
.Ltmp13:
0x253: {  	(pc) =	sbr.rel .LBB2_26-.Ltmp13, $2  }
0x254: {  	_ =	sdelay $0x2  }
0x255: {  	[tilespmem:s2], [sflag:$0x3] =	stream.linear.gather [hbm4b:s4+s5], $0x80, $0x38;
	[tilespmem:$0x1F700] =	vst v63  }
.LBB2_22:
0x256: {  	s1 =	rddreg [dreg:$0x3]  }
0x257: {  	s1 =	sadd.s32 s2, s1  }
0x258: {  	s1 =	sadd.s32 s12, s1  }
0x259: {  	s4 =	simm.s32 $0x18780;
	s15 =	sadd.s32 $0x18000, s1  }
0x25a: {  	[tilespmem:s4], [sflag:$0x3] =	stream.linear.gather [spmem:s15], $0x80, $0x38;
	[tilespmem:$0x1F700] =	vst v63  }
0x25b: {  	s12 =	sadd.s32 $0x18400, s1;
	s15 =	simm.s32 $0x18880  }
0x25c: {  	[tilespmem:s15], [sflag:$0x3] =	stream.linear.gather [spmem:s12], $0x80, $0x38;
	[tilespmem:$0x1F700] =	vst v63  }
0x25d: {  	s12 =	sadd.s32 $0x18800, s1;
	s15 =	simm.s32 $0x18980  }
0x25e: {  	[tilespmem:s15], [sflag:$0x3] =	stream.linear.gather [spmem:s12], $0x80, $0x38;
	[tilespmem:$0x1F700] =	vst v63  }
0x25f: {  	s12 =	sadd.s32 $0x18C00, s1;
	s15 =	simm.s32 $0x18A80  }
0x260: {  	[tilespmem:s15], [sflag:$0x3] =	stream.linear.gather [spmem:s12], $0x80, $0x38;
	[tilespmem:$0x1F700] =	vst v63  }
0x261: {  	s12 =	sadd.s32 $0x19000, s1;
	s15 =	simm.s32 $0x18B80  }
0x262: {  	[tilespmem:s15], [sflag:$0x3] =	stream.linear.gather [spmem:s12], $0x80, $0x38;
	[tilespmem:$0x1F700] =	vst v63  }
0x263: {  	s12 =	sadd.s32 $0x19400, s1;
	s15 =	simm.s32 $0x18C80  }
0x264: {  	[tilespmem:s15], [sflag:$0x3] =	stream.linear.gather [spmem:s12], $0x80, $0x38;
	[tilespmem:$0x1F700] =	vst v63  }
0x265: {  	s12 =	sadd.s32 $0x19800, s1;
	s15 =	simm.s32 $0x18D80  }
0x266: {  	[tilespmem:s15], [sflag:$0x3] =	stream.linear.gather [spmem:s12], $0x80, $0x38;
	[tilespmem:$0x1F700] =	vst v63  }
0x267: {  	s12 =	sadd.s32 $0x19C00, s1;
	s15 =	simm.s32 $0x18E80  }
0x268: {  	[tilespmem:s15], [sflag:$0x3] =	stream.linear.gather [spmem:s12], $0x80, $0x38;
	[tilespmem:$0x1F700] =	vst v63  }
0x269: {  	s12 =	sadd.s32 $0x1A000, s1;
	s15 =	simm.s32 $0x18F80  }
0x26a: {  	[tilespmem:s15], [sflag:$0x3] =	stream.linear.gather [spmem:s12], $0x80, $0x38;
	[tilespmem:$0x1F700] =	vst v63  }
0x26b: {  	s12 =	sadd.s32 $0x1A400, s1;
	s15 =	simm.s32 $0x19080  }
0x26c: {  	[tilespmem:s15], [sflag:$0x3] =	stream.linear.gather [spmem:s12], $0x80, $0x38;
	[tilespmem:$0x1F700] =	vst v63  }
0x26d: {  	s12 =	sadd.s32 $0x1A800, s1;
	s15 =	simm.s32 $0x19180  }
0x26e: {  	[tilespmem:s15], [sflag:$0x3] =	stream.linear.gather [spmem:s12], $0x80, $0x38;
	[tilespmem:$0x1F700] =	vst v63  }
0x26f: {  	s12 =	sadd.s32 $0x1AC00, s1;
	s15 =	simm.s32 $0x19280  }
0x270: {  	[tilespmem:s15], [sflag:$0x3] =	stream.linear.gather [spmem:s12], $0x80, $0x38;
	[tilespmem:$0x1F700] =	vst v63  }
0x271: {  	s12 =	sadd.s32 $0x1B000, s1;
	s15 =	simm.s32 $0x19380  }
0x272: {  	[tilespmem:s15], [sflag:$0x3] =	stream.linear.gather [spmem:s12], $0x80, $0x38;
	[tilespmem:$0x1F700] =	vst v63  }
0x273: {  	s12 =	sadd.s32 $0x1B400, s1;
	s15 =	simm.s32 $0x19480  }
0x274: {  	[tilespmem:s15], [sflag:$0x3] =	stream.linear.gather [spmem:s12], $0x80, $0x38;
	[tilespmem:$0x1F700] =	vst v63  }
0x275: {  	s12 =	sadd.s32 $0x1B800, s1;
	s15 =	simm.s32 $0x19580  }
0x276: {  	[tilespmem:s15], [sflag:$0x3] =	stream.linear.gather [spmem:s12], $0x80, $0x38;
	[tilespmem:$0x1F700] =	vst v63  }
0x277: {  	s12 =	sadd.s32 $0x1BC00, s1;
	s15 =	simm.s32 $0x19680  }
0x278: {  	[tilespmem:s15], [sflag:$0x3] =	stream.linear.gather [spmem:s12], $0x80, $0x38;
	[tilespmem:$0x1F700] =	vst v63  }
0x279: {  	s12 =	sadd.s32 $0x1C000, s1;
	s15 =	simm.s32 $0x19780  }
0x27a: {  	[tilespmem:s15], [sflag:$0x3] =	stream.linear.gather [spmem:s12], $0x80, $0x38;
	[tilespmem:$0x1F700] =	vst v63  }
0x27b: {  	s12 =	sadd.s32 $0x1C400, s1;
	s15 =	simm.s32 $0x19880  }
0x27c: {  	[tilespmem:s15], [sflag:$0x3] =	stream.linear.gather [spmem:s12], $0x80, $0x38;
	[tilespmem:$0x1F700] =	vst v63  }
0x27d: {  	s12 =	sadd.s32 $0x1C800, s1;
	s15 =	simm.s32 $0x19980  }
0x27e: {  	[tilespmem:s15], [sflag:$0x3] =	stream.linear.gather [spmem:s12], $0x80, $0x38;
	[tilespmem:$0x1F700] =	vst v63  }
0x27f: {  	s12 =	sadd.s32 $0x1CC00, s1;
	s15 =	simm.s32 $0x19A80  }
0x280: {  	[tilespmem:s15], [sflag:$0x3] =	stream.linear.gather [spmem:s12], $0x80, $0x38;
	[tilespmem:$0x1F700] =	vst v63  }
0x281: {  	s12 =	sadd.s32 $0x1D000, s1;
	s15 =	simm.s32 $0x19B80  }
0x282: {  	[tilespmem:s15], [sflag:$0x3] =	stream.linear.gather [spmem:s12], $0x80, $0x38;
	[tilespmem:$0x1F700] =	vst v63  }
0x283: {  	s12 =	sadd.s32 $0x1D400, s1;
	s15 =	simm.s32 $0x19C80  }
0x284: {  	[tilespmem:s15], [sflag:$0x3] =	stream.linear.gather [spmem:s12], $0x80, $0x38;
	[tilespmem:$0x1F700] =	vst v63  }
0x285: {  	s12 =	sadd.s32 $0x1D800, s1;
	s15 =	simm.s32 $0x19D80  }
0x286: {  	[tilespmem:s15], [sflag:$0x3] =	stream.linear.gather [spmem:s12], $0x80, $0x38;
	[tilespmem:$0x1F700] =	vst v63  }
0x287: {  	s12 =	sadd.s32 $0x1DC00, s1;
	s15 =	simm.s32 $0x19E80  }
0x288: {  	[tilespmem:s15], [sflag:$0x3] =	stream.linear.gather [spmem:s12], $0x80, $0x38;
	[tilespmem:$0x1F700] =	vst v63  }
0x289: {  	s12 =	sadd.s32 $0x1E000, s1;
	s15 =	simm.s32 $0x19F80  }
0x28a: {  	[tilespmem:s15], [sflag:$0x3] =	stream.linear.gather [spmem:s12], $0x80, $0x38;
	[tilespmem:$0x1F700] =	vst v63  }
0x28b: {  	s12 =	sadd.s32 $0x1E400, s1;
	s15 =	simm.s32 $0x1A080  }
0x28c: {  	[tilespmem:s15], [sflag:$0x3] =	stream.linear.gather [spmem:s12], $0x80, $0x38;
	[tilespmem:$0x1F700] =	vst v63  }
0x28d: {  	s12 =	sadd.s32 $0x1E800, s1;
	s15 =	simm.s32 $0x1A180  }
0x28e: {  	[tilespmem:s15], [sflag:$0x3] =	stream.linear.gather [spmem:s12], $0x80, $0x38;
	[tilespmem:$0x1F700] =	vst v63  }
0x28f: {  	s12 =	sadd.s32 $0x1EC00, s1;
	s15 =	simm.s32 $0x1A280  }
0x290: {  	[tilespmem:s15], [sflag:$0x3] =	stream.linear.gather [spmem:s12], $0x80, $0x38;
	[tilespmem:$0x1F700] =	vst v63  }
0x291: {  	s12 =	sadd.s32 $0x1F000, s1;
	s15 =	simm.s32 $0x1A380  }
0x292: {  	[tilespmem:s15], [sflag:$0x3] =	stream.linear.gather [spmem:s12], $0x80, $0x38;
	[tilespmem:$0x1F700] =	vst v63  }
0x293: {  	s12 =	sadd.s32 $0x1F400, s1;
	s15 =	simm.s32 $0x1A480  }
0x294: {  	[tilespmem:s15], [sflag:$0x3] =	stream.linear.gather [spmem:s12], $0x80, $0x38;
	[tilespmem:$0x1F700] =	vst v63  }
0x295: {  	s4 =	sadd.s32 $0x1F800, s1;
	s12 =	simm.s32 $0x1A580  }
0x296: {  	[tilespmem:s12], [sflag:$0x3] =	stream.linear.gather [spmem:s4], $0x80, $0x38;
	[tilespmem:$0x1F700] =	vst v63  }
0x297: {  	s28 =	smov.u32 s3;
	s1 =	sadd.s32 $0x1FC00, s1;
	s15 =	simm.s32 $0x1A680  }
0x298: {  	[tilespmem:s15], [sflag:$0x3] =	stream.linear.gather [spmem:s1], $0x80, $0x38;
	[tilespmem:$0x1F700] =	vst v63  }
.LBB2_26:
0x299: {  	_ =	swait.ge [sflag:s29], $0x1000  }
0x29a: {  	[sflag:s29] =	ssyncset.done $0x0  }
0x29b: {  	[sflag:s29] =	ssyncadd.s32 $0xFFFFF000  }
0x29c: {  	_ =	swait.ge [sflag:s9], $0x800  }
0x29d: {  	[sflag:s9] =	ssyncset.done $0x0  }
0x29e: {  	s1 =	simm.s32 $0x18740;
	[sflag:s9] =	ssyncadd.s32 $0xFFFFF800  }
0x29f: {  	v0 =	vld [tilespmem:s1+$0x30]  }
0x2a0: {  	v1 =	vld [tilespmem:s1+$0xFFFFFFD0]  }
0x2a1: {  	v2 =	vld [tilespmem:s1+$0xFFFFFFE0]  }
0x2a2: {  	v3 =	vld [tilespmem:s1+$0xFFFFFFF0]  }
0x2a3: {  	v4 =	vld [tilespmem:s1+$0x0]  }
0x2a4: {  	v6 =	vld [tilespmem:s1+$0x10]  }
0x2a5: {  	v7 =	vld [tilespmem:s1+$0x20]  }
0x2a6: {  	v8 =	vld [tilespmem:s1+$0xFFFFFFC0]  }
0x2a7: {  	v9 =	vld.idx.msk [tilespmem:v0+s5+$0x0], $0xffff  }
0x2a8: {  	v10 =	vld.idx.msk [tilespmem:v1+s5+$0x0], $0xffff  }
0x2a9: {  	v5 =	vld.idx.msk [tilespmem:v2+s5+$0x0], $0xffff  }
0x2aa: {  	v3 =	vld.idx.msk [tilespmem:v3+s5+$0x0], $0xffff  }
0x2ab: {  	v0 =	vld.idx.msk [tilespmem:v4+s5+$0x0], $0xffff  }
0x2ac: {  	s1 =	simm.s32 $0x1A740;
	v1 =	vld.idx.msk [tilespmem:v6+s5+$0x0], $0xffff  }
0x2ad: {  	v2 =	vld.idx.msk [tilespmem:v7+s5+$0x0], $0xffff;
	[tilespmem:s1+$0x30] =	vst v9  }
0x2ae: {  	s2 =	simm.s32 $0x0;
	s12 =	simm.s32 $0x18840;
	v4 =	vld.idx.msk [tilespmem:v8+s5+$0x0], $0xffff;
	[tilespmem:s1+$0xFFFFFFD0] =	vst v10  }
.LBB2_27:
0x2af: {  	v6 =	vld [tilespmem:s12+$0x30];
	s2 =	sadd.s32 $0x8, s2;
	[tilespmem:s1+$0xFFFFFFE0] =	vst v5  }
0x2b0: {  	v5 =	vld [tilespmem:s12+$0xFFFFFFD0];
	p0 =	slt.u32 s2, $0x78;
	[tilespmem:s1+$0xFFFFFFF0] =	vst v3  }
0x2b1: {  	v3 =	vld [tilespmem:s12+$0xFFFFFFE0];
	[tilespmem:s1+$0x0] =	vst v0  }
0x2b2: {  	v0 =	vld [tilespmem:s12+$0xFFFFFFF0];
	[tilespmem:s1+$0x10] =	vst v1  }
0x2b3: {  	v1 =	vld [tilespmem:s12+$0x0];
	[tilespmem:s1+$0x20] =	vst v2  }
0x2b4: {  	v2 =	vld [tilespmem:s12+$0x10];
	[tilespmem:s1+$0xFFFFFFC0] =	vst v4  }
0x2b5: {  	v4 =	vld [tilespmem:s12+$0x20]  }
0x2b6: {  	v7 =	vld [tilespmem:s12+$0xFFFFFFC0]  }
0x2b7: {  	v6 =	vld.idx.msk [tilespmem:v6+s5+$0x0], $0xffff  }
0x2b8: {  	v8 =	vld.idx.msk [tilespmem:v5+s5+$0x0], $0xffff  }
0x2b9: {  	v5 =	vld.idx.msk [tilespmem:v3+s5+$0x0], $0xffff  }
.Ltmp14:
0x2ba: {  	v3 =	vld.idx.msk [tilespmem:v0+s5+$0x0], $0xffff;
	(pc) =	sbr.rel @p0 .LBB2_27-.Ltmp14, $4  }
0x2bb: {  	v0 =	vld.idx.msk [tilespmem:v1+s5+$0x0], $0xffff  }
0x2bc: {  	s1 =	sadd.s32 $0x100, s1;
	v1 =	vld.idx.msk [tilespmem:v2+s5+$0x0], $0xffff  }
0x2bd: {  	v2 =	vld.idx.msk [tilespmem:v4+s5+$0x0], $0xffff;
	[tilespmem:s1+$0x30] =	vst v6  }
0x2be: {  	s12 =	sadd.s32 $0x100, s12;
	v4 =	vld.idx.msk [tilespmem:v7+s5+$0x0], $0xffff;
	[tilespmem:s1+$0xFFFFFFD0] =	vst v8  }
0x2bf: {  	[tilespmem:s1+$0xFFFFFFE0] =	vst v5  }
0x2c0: {  	[tilespmem:s1+$0xFFFFFFF0] =	vst v3  }
0x2c1: {  	[tilespmem:s1+$0x0] =	vst v0  }
0x2c2: {  	[tilespmem:s1+$0x10] =	vst v1  }
0x2c3: {  	[tilespmem:s1+$0x20] =	vst v2  }
0x2c4: {  	[tilespmem:s1+$0xFFFFFFC0] =	vst v4  }
0x2c5: {  	s1 =	rddreg [dreg:$0x10]  }
0x2c6: {  	s2 =	simm.s32 $0x1A700;
	s1 =	sadd.s32 s26, s1  }
0x2c7: {  	[hbm4b:s1+s5] =	stream.linear.scatter [tilespmem:s2], [sflag:$0x4], $0x80, $0x38;
	[tilespmem:$0x1F700] =	vst v63  }
0x2c8: {  	s3 =	simm.s32 $0x1A800;
	s15 =	sadd.s32 $0x80, s1  }
0x2c9: {  	[hbm4b:s15+s5] =	stream.linear.scatter [tilespmem:s3], [sflag:$0x4], $0x80, $0x38;
	[tilespmem:$0x1F700] =	vst v63  }
0x2ca: {  	s4 =	simm.s32 $0x1A900;
	s3 =	sadd.s32 $0x100, s1  }
0x2cb: {  	[hbm4b:s3+s5] =	stream.linear.scatter [tilespmem:s4], [sflag:$0x4], $0x80, $0x38;
	[tilespmem:$0x1F700] =	vst v63  }
0x2cc: {  	s12 =	sadd.s32 $0x180, s1;
	s15 =	simm.s32 $0x1AA00  }
0x2cd: {  	[hbm4b:s12+s5] =	stream.linear.scatter [tilespmem:s15], [sflag:$0x4], $0x80, $0x38;
	[tilespmem:$0x1F700] =	vst v63  }
0x2ce: {  	s3 =	sadd.s32 $0x200, s1;
	s4 =	simm.s32 $0x1AB00  }
0x2cf: {  	[hbm4b:s3+s5] =	stream.linear.scatter [tilespmem:s4], [sflag:$0x4], $0x80, $0x38;
	[tilespmem:$0x1F700] =	vst v63  }
0x2d0: {  	s12 =	sadd.s32 $0x280, s1;
	s15 =	simm.s32 $0x1AC00  }
0x2d1: {  	[hbm4b:s12+s5] =	stream.linear.scatter [tilespmem:s15], [sflag:$0x4], $0x80, $0x38;
	[tilespmem:$0x1F700] =	vst v63  }
0x2d2: {  	s3 =	sadd.s32 $0x300, s1;
	s4 =	simm.s32 $0x1AD00  }
0x2d3: {  	[hbm4b:s3+s5] =	stream.linear.scatter [tilespmem:s4], [sflag:$0x4], $0x80, $0x38;
	[tilespmem:$0x1F700] =	vst v63  }
0x2d4: {  	s12 =	sadd.s32 $0x380, s1;
	s15 =	simm.s32 $0x1AE00  }
0x2d5: {  	[hbm4b:s12+s5] =	stream.linear.scatter [tilespmem:s15], [sflag:$0x4], $0x80, $0x38;
	[tilespmem:$0x1F700] =	vst v63  }
0x2d6: {  	s3 =	sadd.s32 $0x400, s1;
	s4 =	simm.s32 $0x1AF00  }
0x2d7: {  	[hbm4b:s3+s5] =	stream.linear.scatter [tilespmem:s4], [sflag:$0x4], $0x80, $0x38;
	[tilespmem:$0x1F700] =	vst v63  }
0x2d8: {  	s12 =	sadd.s32 $0x480, s1;
	s15 =	simm.s32 $0x1B000  }
0x2d9: {  	[hbm4b:s12+s5] =	stream.linear.scatter [tilespmem:s15], [sflag:$0x4], $0x80, $0x38;
	[tilespmem:$0x1F700] =	vst v63  }
0x2da: {  	s3 =	sadd.s32 $0x500, s1;
	s4 =	simm.s32 $0x1B100  }
0x2db: {  	[hbm4b:s3+s5] =	stream.linear.scatter [tilespmem:s4], [sflag:$0x4], $0x80, $0x38;
	[tilespmem:$0x1F700] =	vst v63  }
0x2dc: {  	s12 =	sadd.s32 $0x580, s1;
	s15 =	simm.s32 $0x1B200  }
0x2dd: {  	[hbm4b:s12+s5] =	stream.linear.scatter [tilespmem:s15], [sflag:$0x4], $0x80, $0x38;
	[tilespmem:$0x1F700] =	vst v63  }
0x2de: {  	s3 =	sadd.s32 $0x600, s1;
	s4 =	simm.s32 $0x1B300  }
0x2df: {  	[hbm4b:s3+s5] =	stream.linear.scatter [tilespmem:s4], [sflag:$0x4], $0x80, $0x38;
	[tilespmem:$0x1F700] =	vst v63  }
0x2e0: {  	s12 =	sadd.s32 $0x680, s1;
	s15 =	simm.s32 $0x1B400  }
0x2e1: {  	[hbm4b:s12+s5] =	stream.linear.scatter [tilespmem:s15], [sflag:$0x4], $0x80, $0x38;
	[tilespmem:$0x1F700] =	vst v63  }
0x2e2: {  	s3 =	sadd.s32 $0x700, s1;
	s4 =	simm.s32 $0x1B500  }
0x2e3: {  	[hbm4b:s3+s5] =	stream.linear.scatter [tilespmem:s4], [sflag:$0x4], $0x80, $0x38;
	[tilespmem:$0x1F700] =	vst v63  }
0x2e4: {  	s1 =	sadd.s32 $0x780, s1;
	s12 =	simm.s32 $0x1B600  }
0x2e5: {  	[hbm4b:s1+s5] =	stream.linear.scatter [tilespmem:s12], [sflag:$0x4], $0x80, $0x38;
	[tilespmem:$0x1F700] =	vst v63  }
0x2e6: {  	_ =	swait.ge [sflag:s10], $0x800  }
0x2e7: {  	[sflag:s10] =	ssyncset.done $0x0  }
0x2e8: {  	s15 =	simm.s32 $0x19770;
	[sflag:s10] =	ssyncadd.s32 $0xFFFFF800  }
0x2e9: {  	v0 =	vld [tilespmem:s15+$0x0]  }
0x2ea: {  	v1 =	vld [tilespmem:s15+$0xFFFFFFA0]  }
0x2eb: {  	v2 =	vld [tilespmem:s15+$0xFFFFFFB0]  }
0x2ec: {  	v3 =	vld [tilespmem:s15+$0xFFFFFFC0]  }
0x2ed: {  	v4 =	vld [tilespmem:s15+$0xFFFFFFD0]  }
0x2ee: {  	v6 =	vld [tilespmem:s15+$0xFFFFFFE0]  }
0x2ef: {  	v7 =	vld [tilespmem:s15+$0xFFFFFFF0]  }
0x2f0: {  	v8 =	vld [tilespmem:s15+$0xFFFFFF90]  }
0x2f1: {  	v9 =	vld.idx.msk [tilespmem:v0+s5+$0x0], $0xffff  }
0x2f2: {  	v10 =	vld.idx.msk [tilespmem:v1+s5+$0x0], $0xffff  }
0x2f3: {  	v5 =	vld.idx.msk [tilespmem:v2+s5+$0x0], $0xffff  }
0x2f4: {  	v3 =	vld.idx.msk [tilespmem:v3+s5+$0x0], $0xffff  }
0x2f5: {  	v0 =	vld.idx.msk [tilespmem:v4+s5+$0x0], $0xffff  }
0x2f6: {  	s1 =	simm.s32 $0x1A7F0;
	v1 =	vld.idx.msk [tilespmem:v6+s5+$0x0], $0xffff  }
0x2f7: {  	v2 =	vld.idx.msk [tilespmem:v7+s5+$0x0], $0xffff;
	[tilespmem:s1+$0x0] =	vst v9  }
0x2f8: {  	s2 =	simm.s32 $0x0;
	s12 =	simm.s32 $0x19870;
	v4 =	vld.idx.msk [tilespmem:v8+s5+$0x0], $0xffff;
	[tilespmem:s1+$0xFFFFFFA0] =	vst v10  }
.LBB2_29:
0x2f9: {  	v6 =	vld [tilespmem:s12+$0x0];
	s2 =	sadd.s32 $0x8, s2;
	[tilespmem:s1+$0xFFFFFFB0] =	vst v5  }
0x2fa: {  	v5 =	vld [tilespmem:s12+$0xFFFFFFA0];
	p0 =	slt.u32 s2, $0x78;
	[tilespmem:s1+$0xFFFFFFC0] =	vst v3  }
0x2fb: {  	v3 =	vld [tilespmem:s12+$0xFFFFFFB0];
	[tilespmem:s1+$0xFFFFFFD0] =	vst v0  }
0x2fc: {  	v0 =	vld [tilespmem:s12+$0xFFFFFFC0];
	[tilespmem:s1+$0xFFFFFFE0] =	vst v1  }
0x2fd: {  	v1 =	vld [tilespmem:s12+$0xFFFFFFD0];
	[tilespmem:s1+$0xFFFFFFF0] =	vst v2  }
0x2fe: {  	v2 =	vld [tilespmem:s12+$0xFFFFFFE0];
	[tilespmem:s1+$0xFFFFFF90] =	vst v4  }
0x2ff: {  	v4 =	vld [tilespmem:s12+$0xFFFFFFF0]  }
0x300: {  	v7 =	vld [tilespmem:s12+$0xFFFFFF90]  }
0x301: {  	v6 =	vld.idx.msk [tilespmem:v6+s5+$0x0], $0xffff  }
0x302: {  	v8 =	vld.idx.msk [tilespmem:v5+s5+$0x0], $0xffff  }
0x303: {  	v5 =	vld.idx.msk [tilespmem:v3+s5+$0x0], $0xffff  }
.Ltmp15:
0x304: {  	v3 =	vld.idx.msk [tilespmem:v0+s5+$0x0], $0xffff;
	(pc) =	sbr.rel @p0 .LBB2_29-.Ltmp15, $4  }
0x305: {  	v0 =	vld.idx.msk [tilespmem:v1+s5+$0x0], $0xffff  }
0x306: {  	s1 =	sadd.s32 $0x100, s1;
	v1 =	vld.idx.msk [tilespmem:v2+s5+$0x0], $0xffff  }
0x307: {  	v2 =	vld.idx.msk [tilespmem:v4+s5+$0x0], $0xffff;
	[tilespmem:s1+$0x0] =	vst v6  }
0x308: {  	s12 =	sadd.s32 $0x100, s12;
	v4 =	vld.idx.msk [tilespmem:v7+s5+$0x0], $0xffff;
	[tilespmem:s1+$0xFFFFFFA0] =	vst v8  }
0x309: {  	[tilespmem:s1+$0xFFFFFFB0] =	vst v5  }
0x30a: {  	[tilespmem:s1+$0xFFFFFFC0] =	vst v3  }
0x30b: {  	[tilespmem:s1+$0xFFFFFFD0] =	vst v0  }
0x30c: {  	[tilespmem:s1+$0xFFFFFFE0] =	vst v1  }
0x30d: {  	[tilespmem:s1+$0xFFFFFFF0] =	vst v2  }
0x30e: {  	[tilespmem:s1+$0xFFFFFF90] =	vst v4  }
0x30f: {  	s1 =	rddreg [dreg:$0x11]  }
0x310: {  	s1 =	sadd.s32 s26, s1  }
0x311: {  	[hbm4b:s1+s5] =	stream.linear.scatter [tilespmem:s18], [sflag:$0x5], $0x80, $0x38;
	[tilespmem:$0x1F700] =	vst v63  }
0x312: {  	s3 =	simm.s32 $0x1A880;
	s2 =	sadd.s32 $0x80, s1  }
0x313: {  	[hbm4b:s2+s5] =	stream.linear.scatter [tilespmem:s3], [sflag:$0x5], $0x80, $0x38;
	[tilespmem:$0x1F700] =	vst v63  }
0x314: {  	s12 =	sadd.s32 $0x100, s1  }
0x315: {  	[hbm4b:s12+s5] =	stream.linear.scatter [tilespmem:s7], [sflag:$0x5], $0x80, $0x38;
	[tilespmem:$0x1F700] =	vst v63  }
0x316: {  	s15 =	sadd.s32 $0x180, s1  }
0x317: {  	[hbm4b:s15+s5] =	stream.linear.scatter [tilespmem:s11], [sflag:$0x5], $0x80, $0x38;
	[tilespmem:$0x1F700] =	vst v63  }
0x318: {  	s3 =	sadd.s32 $0x200, s1  }
0x319: {  	[hbm4b:s3+s5] =	stream.linear.scatter [tilespmem:s13], [sflag:$0x5], $0x80, $0x38;
	[tilespmem:$0x1F700] =	vst v63  }
0x31a: {  	s4 =	sadd.s32 $0x280, s1  }
0x31b: {  	[hbm4b:s4+s5] =	stream.linear.scatter [tilespmem:s14], [sflag:$0x5], $0x80, $0x38;
	[tilespmem:$0x1F700] =	vst v63  }
0x31c: {  	s12 =	sadd.s32 $0x300, s1  }
0x31d: {  	[hbm4b:s12+s5] =	stream.linear.scatter [tilespmem:s16], [sflag:$0x5], $0x80, $0x38;
	[tilespmem:$0x1F700] =	vst v63  }
0x31e: {  	s15 =	sadd.s32 $0x380, s1  }
0x31f: {  	[hbm4b:s15+s5] =	stream.linear.scatter [tilespmem:s17], [sflag:$0x5], $0x80, $0x38;
	[tilespmem:$0x1F700] =	vst v63  }
0x320: {  	s3 =	sadd.s32 $0x400, s1  }
0x321: {  	[hbm4b:s3+s5] =	stream.linear.scatter [tilespmem:s19], [sflag:$0x5], $0x80, $0x38;
	[tilespmem:$0x1F700] =	vst v63  }
0x322: {  	s4 =	sadd.s32 $0x480, s1  }
0x323: {  	[hbm4b:s4+s5] =	stream.linear.scatter [tilespmem:s20], [sflag:$0x5], $0x80, $0x38;
	[tilespmem:$0x1F700] =	vst v63  }
0x324: {  	s12 =	sadd.s32 $0x500, s1  }
0x325: {  	[hbm4b:s12+s5] =	stream.linear.scatter [tilespmem:s21], [sflag:$0x5], $0x80, $0x38;
	[tilespmem:$0x1F700] =	vst v63  }
0x326: {  	s15 =	sadd.s32 $0x580, s1  }
0x327: {  	[hbm4b:s15+s5] =	stream.linear.scatter [tilespmem:s24], [sflag:$0x5], $0x80, $0x38;
	[tilespmem:$0x1F700] =	vst v63  }
0x328: {  	s3 =	sadd.s32 $0x600, s1  }
0x329: {  	[hbm4b:s3+s5] =	stream.linear.scatter [tilespmem:s8], [sflag:$0x5], $0x80, $0x38;
	[tilespmem:$0x1F700] =	vst v63  }
0x32a: {  	s4 =	sadd.s32 $0x680, s1  }
0x32b: {  	[hbm4b:s4+s5] =	stream.linear.scatter [tilespmem:s30], [sflag:$0x5], $0x80, $0x38;
	[tilespmem:$0x1F700] =	vst v63  }
0x32c: {  	s12 =	sadd.s32 $0x700, s1  }
0x32d: {  	[hbm4b:s12+s5] =	stream.linear.scatter [tilespmem:s31], [sflag:$0x5], $0x80, $0x38;
	[tilespmem:$0x1F700] =	vst v63  }
0x32e: {  	s1 =	sadd.s32 $0x780, s1  }
0x32f: {  	[hbm4b:s1+s5] =	stream.linear.scatter [tilespmem:s0], [sflag:$0x5], $0x80, $0x38;
	[tilespmem:$0x1F700] =	vst v63  }
0x330: {  	_ =	swait.ge [sflag:s6], $0x1000  }
0x331: {  	[sflag:s6] =	ssyncset.done $0x0  }
0x332: {  	[sflag:s6] =	ssyncadd.s32 $0xFFFFF000  }
0x333: {  	_ =	swait.ge [sflag:s9], $0x800  }
0x334: {  	[sflag:s9] =	ssyncset.done $0x0  }
0x335: {  	s15 =	simm.s32 $0x187F0;
	[sflag:s9] =	ssyncadd.s32 $0xFFFFF800  }
0x336: {  	v0 =	vld [tilespmem:s15+$0x0]  }
0x337: {  	v1 =	vld [tilespmem:s15+$0xFFFFFFA0]  }
0x338: {  	v2 =	vld [tilespmem:s15+$0xFFFFFFB0]  }
0x339: {  	v3 =	vld [tilespmem:s15+$0xFFFFFFC0]  }
0x33a: {  	v4 =	vld [tilespmem:s15+$0xFFFFFFD0]  }
0x33b: {  	v6 =	vld [tilespmem:s15+$0xFFFFFFE0]  }
0x33c: {  	v7 =	vld [tilespmem:s15+$0xFFFFFFF0]  }
0x33d: {  	v8 =	vld [tilespmem:s15+$0xFFFFFF90]  }
0x33e: {  	v9 =	vld.idx.msk [tilespmem:v0+s5+$0x0], $0xffff  }
0x33f: {  	v10 =	vld.idx.msk [tilespmem:v1+s5+$0x0], $0xffff  }
0x340: {  	v5 =	vld.idx.msk [tilespmem:v2+s5+$0x0], $0xffff  }
0x341: {  	v3 =	vld.idx.msk [tilespmem:v3+s5+$0x0], $0xffff  }
0x342: {  	v0 =	vld.idx.msk [tilespmem:v4+s5+$0x0], $0xffff  }
0x343: {  	s1 =	simm.s32 $0x1A740;
	v1 =	vld.idx.msk [tilespmem:v6+s5+$0x0], $0xffff  }
0x344: {  	v2 =	vld.idx.msk [tilespmem:v7+s5+$0x0], $0xffff;
	[tilespmem:s1+$0x30] =	vst v9  }
0x345: {  	s2 =	simm.s32 $0x0;
	s12 =	simm.s32 $0x188F0;
	v4 =	vld.idx.msk [tilespmem:v8+s5+$0x0], $0xffff;
	[tilespmem:s1+$0xFFFFFFD0] =	vst v10  }
.LBB2_31:
0x346: {  	v6 =	vld [tilespmem:s12+$0x0];
	s2 =	sadd.s32 $0x8, s2;
	[tilespmem:s1+$0xFFFFFFE0] =	vst v5  }
0x347: {  	v5 =	vld [tilespmem:s12+$0xFFFFFFA0];
	p0 =	slt.u32 s2, $0x78;
	[tilespmem:s1+$0xFFFFFFF0] =	vst v3  }
0x348: {  	v3 =	vld [tilespmem:s12+$0xFFFFFFB0];
	[tilespmem:s1+$0x0] =	vst v0  }
0x349: {  	v0 =	vld [tilespmem:s12+$0xFFFFFFC0];
	[tilespmem:s1+$0x10] =	vst v1  }
0x34a: {  	v1 =	vld [tilespmem:s12+$0xFFFFFFD0];
	[tilespmem:s1+$0x20] =	vst v2  }
0x34b: {  	v2 =	vld [tilespmem:s12+$0xFFFFFFE0];
	[tilespmem:s1+$0xFFFFFFC0] =	vst v4  }
0x34c: {  	v4 =	vld [tilespmem:s12+$0xFFFFFFF0]  }
0x34d: {  	v7 =	vld [tilespmem:s12+$0xFFFFFF90]  }
0x34e: {  	v6 =	vld.idx.msk [tilespmem:v6+s5+$0x0], $0xffff  }
0x34f: {  	v8 =	vld.idx.msk [tilespmem:v5+s5+$0x0], $0xffff  }
0x350: {  	v5 =	vld.idx.msk [tilespmem:v3+s5+$0x0], $0xffff  }
.Ltmp16:
0x351: {  	v3 =	vld.idx.msk [tilespmem:v0+s5+$0x0], $0xffff;
	(pc) =	sbr.rel @p0 .LBB2_31-.Ltmp16, $4  }
0x352: {  	v0 =	vld.idx.msk [tilespmem:v1+s5+$0x0], $0xffff  }
0x353: {  	s1 =	sadd.s32 $0x100, s1;
	v1 =	vld.idx.msk [tilespmem:v2+s5+$0x0], $0xffff  }
0x354: {  	v2 =	vld.idx.msk [tilespmem:v4+s5+$0x0], $0xffff;
	[tilespmem:s1+$0x30] =	vst v6  }
0x355: {  	s12 =	sadd.s32 $0x100, s12;
	v4 =	vld.idx.msk [tilespmem:v7+s5+$0x0], $0xffff;
	[tilespmem:s1+$0xFFFFFFD0] =	vst v8  }
0x356: {  	[tilespmem:s1+$0xFFFFFFE0] =	vst v5  }
0x357: {  	[tilespmem:s1+$0xFFFFFFF0] =	vst v3  }
0x358: {  	[tilespmem:s1+$0x0] =	vst v0  }
0x359: {  	[tilespmem:s1+$0x10] =	vst v1  }
0x35a: {  	[tilespmem:s1+$0x20] =	vst v2  }
0x35b: {  	[tilespmem:s1+$0xFFFFFFC0] =	vst v4  }
0x35c: {  	s1 =	rddreg [dreg:$0x12]  }
0x35d: {  	s2 =	simm.s32 $0x1A700;
	s1 =	sadd.s32 s26, s1  }
0x35e: {  	[hbm4b:s1+s5] =	stream.linear.scatter [tilespmem:s2], [sflag:$0x4], $0x80, $0x38;
	[tilespmem:$0x1F700] =	vst v63  }
0x35f: {  	s3 =	simm.s32 $0x1A800;
	s26 =	sadd.s32 $0x80, s1  }
0x360: {  	[hbm4b:s26+s5] =	stream.linear.scatter [tilespmem:s3], [sflag:$0x4], $0x80, $0x38;
	[tilespmem:$0x1F700] =	vst v63  }
0x361: {  	s12 =	simm.s32 $0x1A900;
	s4 =	sadd.s32 $0x100, s1  }
0x362: {  	[hbm4b:s4+s5] =	stream.linear.scatter [tilespmem:s12], [sflag:$0x4], $0x80, $0x38;
	[tilespmem:$0x1F700] =	vst v63  }
0x363: {  	s15 =	sadd.s32 $0x180, s1;
	s26 =	simm.s32 $0x1AA00  }
0x364: {  	[hbm4b:s15+s5] =	stream.linear.scatter [tilespmem:s26], [sflag:$0x4], $0x80, $0x38;
	[tilespmem:$0x1F700] =	vst v63  }
0x365: {  	s4 =	sadd.s32 $0x200, s1;
	s12 =	simm.s32 $0x1AB00  }
0x366: {  	[hbm4b:s4+s5] =	stream.linear.scatter [tilespmem:s12], [sflag:$0x4], $0x80, $0x38;
	[tilespmem:$0x1F700] =	vst v63  }
0x367: {  	s15 =	sadd.s32 $0x280, s1;
	s26 =	simm.s32 $0x1AC00  }
0x368: {  	[hbm4b:s15+s5] =	stream.linear.scatter [tilespmem:s26], [sflag:$0x4], $0x80, $0x38;
	[tilespmem:$0x1F700] =	vst v63  }
0x369: {  	s4 =	sadd.s32 $0x300, s1;
	s12 =	simm.s32 $0x1AD00  }
0x36a: {  	[hbm4b:s4+s5] =	stream.linear.scatter [tilespmem:s12], [sflag:$0x4], $0x80, $0x38;
	[tilespmem:$0x1F700] =	vst v63  }
0x36b: {  	s15 =	sadd.s32 $0x380, s1;
	s26 =	simm.s32 $0x1AE00  }
0x36c: {  	[hbm4b:s15+s5] =	stream.linear.scatter [tilespmem:s26], [sflag:$0x4], $0x80, $0x38;
	[tilespmem:$0x1F700] =	vst v63  }
0x36d: {  	s4 =	sadd.s32 $0x400, s1;
	s12 =	simm.s32 $0x1AF00  }
0x36e: {  	[hbm4b:s4+s5] =	stream.linear.scatter [tilespmem:s12], [sflag:$0x4], $0x80, $0x38;
	[tilespmem:$0x1F700] =	vst v63  }
0x36f: {  	s15 =	sadd.s32 $0x480, s1;
	s26 =	simm.s32 $0x1B000  }
0x370: {  	[hbm4b:s15+s5] =	stream.linear.scatter [tilespmem:s26], [sflag:$0x4], $0x80, $0x38;
	[tilespmem:$0x1F700] =	vst v63  }
0x371: {  	s4 =	sadd.s32 $0x500, s1;
	s12 =	simm.s32 $0x1B100  }
0x372: {  	[hbm4b:s4+s5] =	stream.linear.scatter [tilespmem:s12], [sflag:$0x4], $0x80, $0x38;
	[tilespmem:$0x1F700] =	vst v63  }
0x373: {  	s15 =	sadd.s32 $0x580, s1;
	s26 =	simm.s32 $0x1B200  }
0x374: {  	[hbm4b:s15+s5] =	stream.linear.scatter [tilespmem:s26], [sflag:$0x4], $0x80, $0x38;
	[tilespmem:$0x1F700] =	vst v63  }
0x375: {  	s4 =	sadd.s32 $0x600, s1;
	s12 =	simm.s32 $0x1B300  }
0x376: {  	[hbm4b:s4+s5] =	stream.linear.scatter [tilespmem:s12], [sflag:$0x4], $0x80, $0x38;
	[tilespmem:$0x1F700] =	vst v63  }
0x377: {  	s15 =	sadd.s32 $0x680, s1;
	s26 =	simm.s32 $0x1B400  }
0x378: {  	[hbm4b:s15+s5] =	stream.linear.scatter [tilespmem:s26], [sflag:$0x4], $0x80, $0x38;
	[tilespmem:$0x1F700] =	vst v63  }
0x379: {  	s4 =	sadd.s32 $0x700, s1;
	s12 =	simm.s32 $0x1B500  }
0x37a: {  	[hbm4b:s4+s5] =	stream.linear.scatter [tilespmem:s12], [sflag:$0x4], $0x80, $0x38;
	[tilespmem:$0x1F700] =	vst v63  }
0x37b: {  	s1 =	sadd.s32 $0x780, s1;
	s15 =	simm.s32 $0x1B600  }
0x37c: {  	[hbm4b:s1+s5] =	stream.linear.scatter [tilespmem:s15], [sflag:$0x4], $0x80, $0x38;
	[tilespmem:$0x1F700] =	vst v63  }
0x37d: {  	_ =	swait.ge [sflag:s10], $0x800  }
0x37e: {  	[sflag:s10] =	ssyncset.done $0x0  }
0x37f: {  	s26 =	simm.s32 $0x197F0;
	[sflag:s10] =	ssyncadd.s32 $0xFFFFF800  }
0x380: {  	v0 =	vld [tilespmem:s26+$0x0]  }
0x381: {  	v1 =	vld [tilespmem:s26+$0xFFFFFFA0]  }
0x382: {  	v2 =	vld [tilespmem:s26+$0xFFFFFFB0]  }
0x383: {  	v3 =	vld [tilespmem:s26+$0xFFFFFFC0]  }
0x384: {  	v6 =	vld [tilespmem:s26+$0xFFFFFFD0]  }
0x385: {  	v7 =	vld [tilespmem:s26+$0xFFFFFFE0]  }
0x386: {  	v8 =	vld [tilespmem:s26+$0xFFFFFFF0]  }
0x387: {  	v9 =	vld [tilespmem:s26+$0xFFFFFF90]  }
0x388: {  	v10 =	vld.idx.msk [tilespmem:v0+s5+$0x0], $0xffff  }
0x389: {  	v11 =	vld.idx.msk [tilespmem:v1+s5+$0x0], $0xffff  }
0x38a: {  	v5 =	vld.idx.msk [tilespmem:v2+s5+$0x0], $0xffff  }
0x38b: {  	v4 =	vld.idx.msk [tilespmem:v3+s5+$0x0], $0xffff  }
0x38c: {  	v3 =	vld.idx.msk [tilespmem:v6+s5+$0x0], $0xffff  }
0x38d: {  	s1 =	simm.s32 $0x1A7F0;
	v1 =	vld.idx.msk [tilespmem:v7+s5+$0x0], $0xffff  }
0x38e: {  	v0 =	vld.idx.msk [tilespmem:v8+s5+$0x0], $0xffff;
	[tilespmem:s1+$0x0] =	vst v10  }
0x38f: {  	s2 =	simm.s32 $0x0;
	s12 =	simm.s32 $0x198F0;
	v2 =	vld.idx.msk [tilespmem:v9+s5+$0x0], $0xffff;
	[tilespmem:s1+$0xFFFFFFA0] =	vst v11  }
.LBB2_33:
0x390: {  	v6 =	vld [tilespmem:s12+$0x0];
	s2 =	sadd.s32 $0x8, s2;
	[tilespmem:s1+$0xFFFFFFB0] =	vst v5  }
0x391: {  	v5 =	vld [tilespmem:s12+$0xFFFFFFA0];
	p0 =	slt.u32 s2, $0x78;
	[tilespmem:s1+$0xFFFFFFC0] =	vst v4  }
0x392: {  	v4 =	vld [tilespmem:s12+$0xFFFFFFB0];
	[tilespmem:s1+$0xFFFFFFD0] =	vst v3  }
0x393: {  	v3 =	vld [tilespmem:s12+$0xFFFFFFC0];
	[tilespmem:s1+$0xFFFFFFE0] =	vst v1  }
0x394: {  	v1 =	vld [tilespmem:s12+$0xFFFFFFD0];
	[tilespmem:s1+$0xFFFFFFF0] =	vst v0  }
0x395: {  	v0 =	vld [tilespmem:s12+$0xFFFFFFE0];
	[tilespmem:s1+$0xFFFFFF90] =	vst v2  }
0x396: {  	v2 =	vld [tilespmem:s12+$0xFFFFFFF0]  }
0x397: {  	v7 =	vld [tilespmem:s12+$0xFFFFFF90]  }
0x398: {  	v6 =	vld.idx.msk [tilespmem:v6+s5+$0x0], $0xffff  }
0x399: {  	v8 =	vld.idx.msk [tilespmem:v5+s5+$0x0], $0xffff  }
0x39a: {  	v5 =	vld.idx.msk [tilespmem:v4+s5+$0x0], $0xffff  }
.Ltmp17:
0x39b: {  	v4 =	vld.idx.msk [tilespmem:v3+s5+$0x0], $0xffff;
	(pc) =	sbr.rel @p0 .LBB2_33-.Ltmp17, $4  }
0x39c: {  	v3 =	vld.idx.msk [tilespmem:v1+s5+$0x0], $0xffff  }
0x39d: {  	s1 =	sadd.s32 $0x100, s1;
	v1 =	vld.idx.msk [tilespmem:v0+s5+$0x0], $0xffff  }
0x39e: {  	v0 =	vld.idx.msk [tilespmem:v2+s5+$0x0], $0xffff;
	[tilespmem:s1+$0x0] =	vst v6  }
0x39f: {  	s12 =	sadd.s32 $0x100, s12;
	v2 =	vld.idx.msk [tilespmem:v7+s5+$0x0], $0xffff;
	[tilespmem:s1+$0xFFFFFFA0] =	vst v8  }
0x3a0: {  	[tilespmem:s1+$0xFFFFFFB0] =	vst v5  }
0x3a1: {  	[tilespmem:s1+$0xFFFFFFC0] =	vst v4  }
0x3a2: {  	s2 =	sor.u32 s28, s23;
	[tilespmem:s1+$0xFFFFFFD0] =	vst v3  }
0x3a3: {  	s2 =	sshrl.u32 s2, $0x3;
	[tilespmem:s1+$0xFFFFFFE0] =	vst v1  }
0x3a4: {  	s2 =	sor.u32 $0x3800, s2;
	[tilespmem:s1+$0xFFFFFFF0] =	vst v0  }
0x3a5: {  	[tilespmem:s1+$0xFFFFFF90] =	vst v2;
	s1 =	sadd.s32 s25, s2  }
0x3a6: {  	[hbm4b:s1+s5] =	stream.linear.scatter [tilespmem:s18], [sflag:$0x5], $0x80, $0x38;
	[tilespmem:$0x1F700] =	vst v63  }
0x3a7: {  	s3 =	simm.s32 $0x1A880;
	s2 =	sadd.s32 $0x80, s1  }
0x3a8: {  	[hbm4b:s2+s5] =	stream.linear.scatter [tilespmem:s3], [sflag:$0x5], $0x80, $0x38;
	[tilespmem:$0x1F700] =	vst v63  }
0x3a9: {  	s26 =	sadd.s32 $0x100, s1  }
0x3aa: {  	[hbm4b:s26+s5] =	stream.linear.scatter [tilespmem:s7], [sflag:$0x5], $0x80, $0x38;
	[tilespmem:$0x1F700] =	vst v63  }
0x3ab: {  	s3 =	sadd.s32 $0x180, s1  }
0x3ac: {  	[hbm4b:s3+s5] =	stream.linear.scatter [tilespmem:s11], [sflag:$0x5], $0x80, $0x38;
	[tilespmem:$0x1F700] =	vst v63  }
0x3ad: {  	s4 =	sadd.s32 $0x200, s1  }
0x3ae: {  	[hbm4b:s4+s5] =	stream.linear.scatter [tilespmem:s13], [sflag:$0x5], $0x80, $0x38;
	[tilespmem:$0x1F700] =	vst v63  }
0x3af: {  	s12 =	sadd.s32 $0x280, s1  }
0x3b0: {  	[hbm4b:s12+s5] =	stream.linear.scatter [tilespmem:s14], [sflag:$0x5], $0x80, $0x38;
	[tilespmem:$0x1F700] =	vst v63  }
0x3b1: {  	s15 =	sadd.s32 $0x300, s1  }
0x3b2: {  	[hbm4b:s15+s5] =	stream.linear.scatter [tilespmem:s16], [sflag:$0x5], $0x80, $0x38;
	[tilespmem:$0x1F700] =	vst v63  }
0x3b3: {  	s23 =	sadd.s32 $0x380, s1  }
0x3b4: {  	[hbm4b:s23+s5] =	stream.linear.scatter [tilespmem:s17], [sflag:$0x5], $0x80, $0x38;
	[tilespmem:$0x1F700] =	vst v63  }
0x3b5: {  	s26 =	sadd.s32 $0x400, s1  }
0x3b6: {  	[hbm4b:s26+s5] =	stream.linear.scatter [tilespmem:s19], [sflag:$0x5], $0x80, $0x38;
	[tilespmem:$0x1F700] =	vst v63  }
0x3b7: {  	s3 =	sadd.s32 $0x480, s1  }
0x3b8: {  	[hbm4b:s3+s5] =	stream.linear.scatter [tilespmem:s20], [sflag:$0x5], $0x80, $0x38;
	[tilespmem:$0x1F700] =	vst v63  }
0x3b9: {  	s4 =	sadd.s32 $0x500, s1  }
0x3ba: {  	[hbm4b:s4+s5] =	stream.linear.scatter [tilespmem:s21], [sflag:$0x5], $0x80, $0x38;
	[tilespmem:$0x1F700] =	vst v63  }
0x3bb: {  	s12 =	sadd.s32 $0x580, s1  }
0x3bc: {  	[hbm4b:s12+s5] =	stream.linear.scatter [tilespmem:s24], [sflag:$0x5], $0x80, $0x38;
	[tilespmem:$0x1F700] =	vst v63  }
0x3bd: {  	s15 =	sadd.s32 $0x600, s1  }
0x3be: {  	[hbm4b:s15+s5] =	stream.linear.scatter [tilespmem:s8], [sflag:$0x5], $0x80, $0x38;
	[tilespmem:$0x1F700] =	vst v63  }
0x3bf: {  	s23 =	sadd.s32 $0x680, s1  }
0x3c0: {  	[hbm4b:s23+s5] =	stream.linear.scatter [tilespmem:s30], [sflag:$0x5], $0x80, $0x38;
	[tilespmem:$0x1F700] =	vst v63  }
0x3c1: {  	s26 =	sadd.s32 $0x700, s1  }
0x3c2: {  	[hbm4b:s26+s5] =	stream.linear.scatter [tilespmem:s31], [sflag:$0x5], $0x80, $0x38;
	[tilespmem:$0x1F700] =	vst v63  }
0x3c3: {  	s22 =	sadd.s32 $0x1, s22;
	s1 =	sadd.s32 $0x780, s1  }
0x3c4: {  	[hbm4b:s1+s5] =	stream.linear.scatter [tilespmem:s0], [sflag:$0x5], $0x80, $0x38;
	[tilespmem:$0x1F700] =	vst v63  }
0x3c5: {  	p0 =	sne.s32 s22, $0x1A;
	_ =	swait.ge [sflag:s9], $0x800  }
.Ltmp18:
0x3c6: {  	[sflag:s9] =	ssyncset.done $0x0;
	(pc) =	sbr.rel @p0 .LBB2_2-.Ltmp18, $4  }
0x3c7: {  	[sflag:s9] =	ssyncadd.s32 $0xFFFFF800  }
0x3c8: {  	_ =	swait.ge [sflag:s10], $0x800  }
0x3c9: {  	[sflag:s10] =	ssyncset.done $0x0  }
0x3ca: {  	[sflag:s10] =	ssyncadd.s32 $0xFFFFF800  }
0x3cb: {  	s2 =	rddreg [dreg:$0x15]  }
0x3cc: {  	s1 =	rddreg [dreg:$0x13];
	s2 =	sadd.s32 $0x1, s2  }
0x3cd: {  	p0 =	sne.s32 s2, s1  }
.Ltmp19:
0x3ce: {  	_ = 	snop;
	(pc) =	sbr.rel @p0 .LBB2_1-.Ltmp19, $1  }
0x3cf: {  	_ =	sdelay $0x3  }
0x3d0: {  	_ =	sfence.sel $0x180000  }
0x3d1: {  	[bflag:$0x0] =	sbarrier.arrive $0xFFFF  }
0x3d2: {  	_ =	strace $0x90000047  }
0x3d3: {  	s0 =	stileid.u32;
	[bflag:$0x2] =	sbarrier.arrive $0xFFFF  }
0x3d4: {  	p0 =	sne.s32 s0, $0x0;
	s0 =	rddreg [dreg:$0x4]  }
0x3d5: {  	s0 =	sadd.s32 @!p0 $0x100000, s0  }
0x3d6: {  	[sflag:s0] =	ssyncadd.tile.s32 @!p0 $0x1;
	_ =	shalt  }
.Lfunc_end2:
_tile_overlayer_lowered:
.L_overlay_start_2:
0x3d7: {  	(tag) =	ssettag $0x2  }
0x3d8: {  	s0 =	rddreg [dreg:$0x0];
	s2 =	stileid.u32  }
0x3d9: {  	s1 =	rddreg [dreg:$0x1];
	p0 =	sne.s32 s2, $0x0  }
0x3da: {  	s3 =	rddreg [dreg:$0x2];
	[bflag:$0x3] =	sbarrier.arrive $0xFFFF;
	s2 =	simm.s32 @!p0 $0x1C06  }
0x3db: {  	[timem:s3], [sflag:s2] =	dma.local @!p0 [hbm:s0], s1  }
0x3dc: {  	s0 =	simm.s32 @!p0 $0x6  }
0x3dd: {  	_ =	swait.ge @!p0 [sflag:s0], s1  }
0x3de: {  	s1 =	ssub.s32 @!p0 $0x0, s1;
	[sflag:s0] =	ssyncset.done @!p0 $0x0  }
0x3df: {  	[sflag:s0] =	ssyncadd.s32 @!p0 s1  }
0x3e0: {  	[bflag:$0x3] =	sbarrier.arrive $0xFFFF  }
0x3e1: {  	_ =	shalt  }

</sc_bundles>
